<compile_context>
chip_gen: v7x
topology: tpu7x:2x2x1
jax: 0.10.2.dev20260603
libtpu: 0.0.44.dev20260713+nightly
codegen_flags: <defaults>
</compile_context>

<pallas_src>
import functools

import jax
import jax.numpy as jnp
from jax import lax
from jax.experimental import pallas as pl
from jax.experimental.pallas import tpu as pltpu
from jax.experimental.pallas import tpu_sc as plsc

NC, NS = 2, 16
NW = NC * NS
CHUNK = 128
BLK = 512


def _mesh():
    return plsc.VectorSubcoreMesh(core_axis_name="c", subcore_axis_name="s")



def _sc_hist(eidx, ones128, zeros128, npad, nch):
    rps = npad // NS
    w = ones128.shape[1]

    @functools.partial(
        pl.kernel, mesh=_mesh(),
        out_type=jax.ShapeDtypeStruct((NC, npad, w), jnp.float32),
        scratch_types=[pltpu.VMEM((2, CHUNK), jnp.int32),
                       pltpu.VMEM((2, CHUNK), jnp.int32),
                       pltpu.VMEM((CHUNK, w), jnp.float32),
                       pltpu.VMEM_SHARED((npad, w), jnp.float32),
                       pltpu.SemaphoreType.DMA,
                       pltpu.SemaphoreType.DMA],
    )
    def hist_kernel(eidx_hbm, ones_hbm, zeros_hbm, o_hbm,
                    idx0, idx1, onesv, acc_sh, isem0, isem1):
        c = lax.axis_index("c")
        s = lax.axis_index("s")
        wid = s * NC + c
        cb = wid * (nch + 2)
        pltpu.sync_copy(zeros_hbm.at[pl.ds(s * rps, rps)],
                        acc_sh.at[pl.ds(s * rps, rps)])
        pltpu.sync_copy(ones_hbm, onesv)
        pltpu.sync_copy(eidx_hbm.at[cb], idx0)
        plsc.subcore_barrier()
        pltpu.async_copy(eidx_hbm.at[cb + 1], idx1, isem1)

        @pl.loop(0, nch // 2)
        def _(i):
            g = 2 * i
            pltpu.sync_copy(onesv, acc_sh.at[idx0.at[1]], add=True)
            pltpu.make_async_copy(eidx_hbm.at[cb + g + 1], idx1, isem1).wait()
            pltpu.async_copy(eidx_hbm.at[cb + g + 2], idx0, isem0)
            pltpu.sync_copy(onesv, acc_sh.at[idx1.at[1]], add=True)
            pltpu.make_async_copy(eidx_hbm.at[cb + g + 2], idx0, isem0).wait()
            pltpu.async_copy(eidx_hbm.at[cb + g + 3], idx1, isem1)

        pltpu.make_async_copy(eidx_hbm.at[cb + nch + 1], idx1, isem1).wait()
        plsc.subcore_barrier()
        pltpu.sync_copy(acc_sh.at[pl.ds(s * rps, rps)],
                        o_hbm.at[c].at[pl.ds(s * rps, rps)])

    return hist_kernel(eidx, ones128, zeros128)


def _sc_conv(hp, src_pad, dst_pad, zeros128, npad, nch):
    rps = npad // NS
    h = hp.shape[1]

    @functools.partial(
        pl.kernel, mesh=_mesh(),
        out_type=jax.ShapeDtypeStruct((NC, npad, h), jnp.float32),
        scratch_types=[pltpu.VMEM((CHUNK,), jnp.int32),
                       pltpu.VMEM((CHUNK,), jnp.int32),
                       pltpu.VMEM((CHUNK, h), jnp.float32),
                       pltpu.VMEM_SHARED((npad, h), jnp.float32),
                       pltpu.SemaphoreType.DMA],
    )
    def conv_kernel(hp_hbm, src_hbm, dst_hbm, zeros_hbm, o_hbm,
                    srcv, dstv, rows, acc_sh, sem):
        c = lax.axis_index("c")
        s = lax.axis_index("s")
        wid = s * NC + c
        base = wid * (nch + 1) * CHUNK
        pltpu.sync_copy(zeros_hbm.at[pl.ds(s * rps, rps)],
                        acc_sh.at[pl.ds(s * rps, rps)])
        plsc.subcore_barrier()

        @pl.loop(0, nch)
        def _(ci):
            off = base + ci * CHUNK
            pltpu.sync_copy(src_hbm.at[pl.ds(off, CHUNK)], srcv)
            pltpu.sync_copy(dst_hbm.at[pl.ds(off, CHUNK)], dstv)
            pltpu.async_copy(hp_hbm.at[srcv], rows, sem).wait()
            pltpu.sync_copy(rows, acc_sh.at[dstv], add=True)

        plsc.subcore_barrier()
        pltpu.sync_copy(acc_sh.at[pl.ds(s * rps, rps)],
                        o_hbm.at[c].at[pl.ds(s * rps, rps)])

    return conv_kernel(hp, src_pad, dst_pad, zeros128)



def _prescale_body(x_ref, we_ref, be_ref, wg_ref, hist_ref, hp_ref, dinv_ref):
    deg = hist_ref[0, :, 0:1] + hist_ref[1, :, 0:1] + 1.0
    dinv = 1.0 / jnp.sqrt(deg)
    h0 = (jnp.dot(x_ref[...], we_ref[...],
                  preferred_element_type=jnp.float32) + be_ref[...])
    hw = jnp.dot(h0, wg_ref[...], preferred_element_type=jnp.float32)
    hp_ref[...] = hw * dinv
    dinv_ref[...] = dinv


def _prescale(x, We, be, Wg, hist):
    npad, d = x.shape
    h = Wg.shape[1]
    return pl.pallas_call(
        _prescale_body,
        grid=(npad // BLK,),
        in_specs=[pl.BlockSpec((BLK, d), lambda i: (i, 0)),
                  pl.BlockSpec((d, h), lambda i: (0, 0)),
                  pl.BlockSpec((1, h), lambda i: (0, 0)),
                  pl.BlockSpec((h, h), lambda i: (0, 0)),
                  pl.BlockSpec((NC, BLK, 128), lambda i: (0, i, 0))],
        out_specs=[pl.BlockSpec((BLK, h), lambda i: (i, 0)),
                   pl.BlockSpec((BLK, 1), lambda i: (i, 0))],
        out_shape=[jax.ShapeDtypeStruct((npad, h), jnp.float32),
                   jax.ShapeDtypeStruct((npad, 1), jnp.float32)],
    )(x, We, be.reshape(1, h), Wg, hist)


def _conv_next_body(acc_ref, hp_ref, dv_ref, b_ref, w_ref, o_ref):
    dv = dv_ref[...]
    s = (acc_ref[0] + acc_ref[1] + hp_ref[...]) * dv + b_ref[...]
    s = jnp.maximum(s, 0.0)
    o_ref[...] = jnp.dot(s, w_ref[...],
                         preferred_element_type=jnp.float32) * dv


def _conv_next(acc, hp, dinv, b, Wn):
    npad, h = hp.shape
    return pl.pallas_call(
        _conv_next_body,
        grid=(npad // BLK,),
        in_specs=[pl.BlockSpec((NC, BLK, h), lambda i: (0, i, 0)),
                  pl.BlockSpec((BLK, h), lambda i: (i, 0)),
                  pl.BlockSpec((BLK, 1), lambda i: (i, 0)),
                  pl.BlockSpec((1, h), lambda i: (0, 0)),
                  pl.BlockSpec((h, h), lambda i: (0, 0))],
        out_specs=pl.BlockSpec((BLK, h), lambda i: (i, 0)),
        out_shape=jax.ShapeDtypeStruct((npad, h), jnp.float32),
    )(acc, hp, dinv, b.reshape(1, h), Wn)


def _layer_norm(t, g, b):
    mu = jnp.mean(t, axis=-1, keepdims=True)
    var = jnp.mean((t - mu) ** 2, axis=-1, keepdims=True)
    return (t - mu) / jnp.sqrt(var + 1e-5) * g + b


def _head_body(acc_ref, hp_ref, dv_ref, bg_ref, wm1_ref, bm1_ref,
               g1_ref, be1_ref, wm2_ref, bm2_ref, g2_ref, be2_ref,
               wm3_ref, bm3_ref, o_ref):
    dv = dv_ref[...]
    t = (acc_ref[0] + acc_ref[1] + hp_ref[...]) * dv + bg_ref[...]
    t = jnp.maximum(t, 0.0)
    t = jnp.dot(t, wm1_ref[...], preferred_element_type=jnp.float32) + bm1_ref[...]
    t = jnp.maximum(_layer_norm(t, g1_ref[...], be1_ref[...]), 0.0)
    t = jnp.dot(t, wm2_ref[...], preferred_element_type=jnp.float32) + bm2_ref[...]
    t = jnp.maximum(_layer_norm(t, g2_ref[...], be2_ref[...]), 0.0)
    o_ref[...] = jnp.dot(t, wm3_ref[...],
                         preferred_element_type=jnp.float32) + bm3_ref[...]


def _head(acc, hp, dinv, b_g2, W_m1, b_m1, g1, be1, W_m2, b_m2, g2, be2,
          W_m3, b_m3):
    npad, h = hp.shape
    row = lambda i: (i, 0)
    fixed = lambda i: (0, 0)
    return pl.pallas_call(
        _head_body,
        grid=(npad // BLK,),
        in_specs=[pl.BlockSpec((NC, BLK, h), lambda i: (0, i, 0)),
                  pl.BlockSpec((BLK, h), row),
                  pl.BlockSpec((BLK, 1), row),
                  pl.BlockSpec((1, h), fixed),
                  pl.BlockSpec((h, h), fixed),
                  pl.BlockSpec((1, h), fixed),
                  pl.BlockSpec((1, h), fixed),
                  pl.BlockSpec((1, h), fixed),
                  pl.BlockSpec((h, h), fixed),
                  pl.BlockSpec((1, h), fixed),
                  pl.BlockSpec((1, h), fixed),
                  pl.BlockSpec((1, h), fixed),
                  pl.BlockSpec((h, h), fixed),
                  pl.BlockSpec((1, h), fixed)],
        out_specs=pl.BlockSpec((BLK, h), row),
        out_shape=jax.ShapeDtypeStruct((npad, h), jnp.float32),
    )(acc, hp, dinv, b_g2.reshape(1, h), W_m1, b_m1.reshape(1, h),
      g1.reshape(1, h), be1.reshape(1, h), W_m2, b_m2.reshape(1, h),
      g2.reshape(1, h), be2.reshape(1, h), W_m3, b_m3.reshape(1, h))



def kernel(x, adj, W_embed, b_embed, W_g1, b_g1, W_g2, b_g2,
           W_m1, b_m1, g1, be1, W_m2, b_m2, g2, be2, W_m3, b_m3):
    n, d = x.shape
    e = adj.shape[1]
    npad = -(-(n + 1) // BLK) * BLK
    step = NW * CHUNK * 2
    epad = -(-e // step) * step
    nch = epad // (NW * CHUNK)

    spare = npad - n
    pad_src = n + (jnp.arange(epad - e, dtype=jnp.int32) % spare)
    pad_dst = n + ((jnp.arange(epad - e, dtype=jnp.int32) + 7) % spare)
    src = jnp.concatenate([adj[0].astype(jnp.int32), pad_src])
    dst = jnp.concatenate([adj[1].astype(jnp.int32), pad_dst])
    chunk_pad_dst = jnp.broadcast_to(
        n + (jnp.arange(CHUNK, dtype=jnp.int32) % spare), (NW, 1, CHUNK))
    chunk_pad_src = chunk_pad_dst
    e3 = jnp.stack([src.reshape(NW, nch, CHUNK),
                    dst.reshape(NW, nch, CHUNK)], axis=2)
    epadchunks = jnp.stack(
        [chunk_pad_src, chunk_pad_dst], axis=2)
    eidx = jnp.concatenate(
        [e3, epadchunks, epadchunks],
        axis=1).reshape(NW * (nch + 2), 2, CHUNK)
    srcf = jnp.concatenate(
        [src.reshape(NW, nch, CHUNK), chunk_pad_src], axis=1).reshape(-1)
    dstf = jnp.concatenate(
        [dst.reshape(NW, nch, CHUNK), chunk_pad_dst], axis=1).reshape(-1)
    xp = jnp.concatenate([x, jnp.zeros((npad - n, d), jnp.float32)], axis=0)

    ones128 = jnp.ones((CHUNK, 128), jnp.float32)
    zeros128 = jnp.zeros((npad, W_g1.shape[1]), jnp.float32)

    hist = _sc_hist(eidx, ones128, zeros128, npad, nch)
    h1p, dinv = _prescale(xp, W_embed, b_embed, W_g1, hist)
    acc = _sc_conv(h1p, srcf, dstf, zeros128, npad, nch)
    h2p = _conv_next(acc, h1p, dinv, b_g1, W_g2)
    acc2 = _sc_conv(h2p, srcf, dstf, zeros128, npad, nch)
    out = _head(acc2, h2p, dinv, b_g2, W_m1, b_m1, g1, be1,
                W_m2, b_m2, g2, be2, W_m3, b_m3)
    return out[:n]

# --- scband reference (transcript-rebuilt; emitter-appended) ---
"""Pipeline reference for scband-gcn-67448166416673 (READ-ONLY COPY).

The authoritative reference and input builder live on the scoring server;
editing this copy changes nothing except your own understanding.
"""

import jax, jax.numpy as jnp
import numpy as np

N, E, D, H = 10000, 320000, 128, 128


def _lin(k, fi, fo):
    kw, kb = jax.random.split(k)
    s = 1.0 / np.sqrt(fi)
    W = jax.random.uniform(kw, (fi, fo), jnp.float32, -s, s)
    b = jax.random.uniform(kb, (fo,), jnp.float32, -s, s)
    return W, b


def setup_inputs(seed: int = 0):
    key = jax.random.key(seed)
    ks = jax.random.split(key, 10)
    x = jax.random.normal(ks[0], (N, D), jnp.float32)
    adj = jax.random.randint(ks[1], (2, E), 0, N, jnp.int32)
    W_embed, b_embed = _lin(ks[2], D, H)
    W_g1, b_g1 = _lin(ks[3], H, H)
    W_g2, b_g2 = _lin(ks[4], H, H)
    W_m1, b_m1 = _lin(ks[5], H, H)
    W_m2, b_m2 = _lin(ks[6], H, H)
    W_m3, b_m3 = _lin(ks[7], H, H)
    g1 = jnp.ones((H,), jnp.float32); be1 = jnp.zeros((H,), jnp.float32)
    g2 = jnp.ones((H,), jnp.float32); be2 = jnp.zeros((H,), jnp.float32)
    return {"x": x, "adj": adj, "W_embed": W_embed, "b_embed": b_embed,
            "W_g1": W_g1, "b_g1": b_g1, "W_g2": W_g2, "b_g2": b_g2,
            "W_m1": W_m1, "b_m1": b_m1, "g1": g1, "be1": be1,
            "W_m2": W_m2, "b_m2": b_m2, "g2": g2, "be2": be2,
            "W_m3": W_m3, "b_m3": b_m3}


def _layer_norm(h, g, b):
    mu = jnp.mean(h, axis=-1, keepdims=True)
    var = jnp.mean((h - mu) ** 2, axis=-1, keepdims=True)
    return (h - mu) / jnp.sqrt(var + 1e-5) * g + b


def _gcn_conv(x, edge_index, W, b):
    n = x.shape[0]
    loop = jnp.arange(n, dtype=edge_index.dtype)
    src = jnp.concatenate([edge_index[0], loop])
    dst = jnp.concatenate([edge_index[1], loop])
    deg = jnp.zeros((n,), jnp.float32).at[dst].add(1.0)
    dinv = 1.0 / jnp.sqrt(deg)
    norm = dinv[src] * dinv[dst]
    h = x @ W
    msg = h[src] * norm[:, None]
    out = jnp.zeros((n, W.shape[1]), jnp.float32).at[dst].add(msg)
    return out + b


def reference(x, adj, W_embed, b_embed, W_g1, b_g1, W_g2, b_g2,
              W_m1, b_m1, g1, be1, W_m2, b_m2, g2, be2, W_m3, b_m3):
    h = x @ W_embed + b_embed
    h = jax.nn.relu(_gcn_conv(h, adj, W_g1, b_g1))
    h = jax.nn.relu(_gcn_conv(h, adj, W_g2, b_g2))
    h = jax.nn.relu(_layer_norm(h @ W_m1 + b_m1, g1, be1))
    h = jax.nn.relu(_layer_norm(h @ W_m2 + b_m2, g2, be2))
    h = h @ W_m3 + b_m3
    return h

if __name__ == "__main__":
    import jax
    _d = setup_inputs()
    print(jax.jit(kernel)(*tuple(_d.values())))

</pallas_src>

<mosaic_0001>
#map = affine_map<(d0, d1) -> (0, 0, 0)>
#map1 = affine_map<(d0, d1) -> (0, 0)>
module attributes {stable_mosaic.version = 14 : i64} {
  func.func @hist_kernel(%arg0: i32, %arg1: i32, %arg2: memref<2624x2x128xi32, #tpu.memory_space<hbm>>, %arg3: memref<128x128xf32, #tpu.memory_space<hbm>>, %arg4: memref<10240x128xf32, #tpu.memory_space<hbm>>, %arg5: memref<2x10240x128xf32, #tpu.memory_space<hbm>>, %arg6: memref<2x128xi32, #tpu.memory_space<vmem>>, %arg7: memref<2x128xi32, #tpu.memory_space<vmem>>, %arg8: memref<128x128xf32, #tpu.memory_space<vmem>>, %arg9: memref<10240x128xf32, #tpu.memory_space<vmem_shared>>, %arg10: memref<!tpu.dma_semaphore, #tpu.memory_space<semaphore_mem>>, %arg11: memref<!tpu.dma_semaphore, #tpu.memory_space<semaphore_mem>>) attributes {dimension_semantics = [#tpu.dimension_semantics<core_parallel>, #tpu.dimension_semantics<subcore_parallel>], iteration_bounds = array<i64: 2, 16>, scalar_prefetch = 0 : i64, scratch_operands = 6 : i64, tpu.core_type = #tpu.core_type<sc_vector_subcore>, window_params = [{transform_indices = #map}, {transform_indices = #map1}, {transform_indices = #map1}, {transform_indices = #map}]} {
    %mul3A = arith.constant 2 : i32
    %mul3A_0 = arith.muli %arg1, %mul3A : i32
    %add3A = arith.addi %mul3A_0, %arg0 : i32
    %mul3A_1 = arith.constant 82 : i32
    %mul3A_2 = arith.muli %add3A, %mul3A_1 : i32
    %mul3A_3 = arith.constant 640 : i32
    %mul3A_4 = arith.muli %arg1, %mul3A_3 : i32
    %mul3A_5 = arith.constant 640 : i32
    %mul3A_6 = arith.muli %arg1, %mul3A_5 : i32
    "tpu.region"() ({
      %run_scoped3A = tpu.sem_alloc : memref<!tpu.dma_semaphore, #tpu.memory_space<semaphore_mem>>
      %dma_start3A_36 = arith.constant 0 : i32
      %dma_start3A_37 = tpu.memref_slice %arg9[%mul3A_6, %dma_start3A_36] : memref<10240x128xf32, #tpu.memory_space<vmem_shared>> -> memref<640x128xf32, #tpu.memory_space<vmem_shared>>
      %dma_start3A_38 = arith.constant 0 : i32
      %dma_start3A_39 = tpu.memref_slice %arg4[%mul3A_4, %dma_start3A_38] : memref<10240x128xf32, #tpu.memory_space<hbm>> -> memref<640x128xf32, #tpu.memory_space<hbm>>
      tpu.enqueue_dma source(%dma_start3A_39 : memref<640x128xf32, #tpu.memory_space<hbm>>) target(%dma_start3A_37 : memref<640x128xf32, #tpu.memory_space<vmem_shared>>) target_semaphore(%run_scoped3A : memref<!tpu.dma_semaphore, #tpu.memory_space<semaphore_mem>>)
      %dma_wait3A_40 = arith.constant 0 : i32
      %dma_wait3A_41 = tpu.memref_slice %arg9[%mul3A_6, %dma_wait3A_40] : memref<10240x128xf32, #tpu.memory_space<vmem_shared>> -> memref<640x128xf32, #tpu.memory_space<vmem_shared>>
      %dma_wait3A_42 = arith.constant 0 : i32
      %dma_wait3A_43 = tpu.memref_slice %arg4[%mul3A_4, %dma_wait3A_42] : memref<10240x128xf32, #tpu.memory_space<hbm>> -> memref<640x128xf32, #tpu.memory_space<hbm>>
      tpu.wait_dma2 semaphore(%run_scoped3A : memref<!tpu.dma_semaphore, #tpu.memory_space<semaphore_mem>>) src(%dma_wait3A_43 : memref<640x128xf32, #tpu.memory_space<hbm>>) dst(%dma_wait3A_41 : memref<640x128xf32, #tpu.memory_space<vmem_shared>>)
      tpu.yield
    }) : () -> ()
    "tpu.region"() ({
      %run_scoped3A = tpu.sem_alloc : memref<!tpu.dma_semaphore, #tpu.memory_space<semaphore_mem>>
      tpu.enqueue_dma source(%arg3 : memref<128x128xf32, #tpu.memory_space<hbm>>) target(%arg8 : memref<128x128xf32, #tpu.memory_space<vmem>>) target_semaphore(%run_scoped3A : memref<!tpu.dma_semaphore, #tpu.memory_space<semaphore_mem>>)
      tpu.wait_dma2 semaphore(%run_scoped3A : memref<!tpu.dma_semaphore, #tpu.memory_space<semaphore_mem>>) src(%arg3 : memref<128x128xf32, #tpu.memory_space<hbm>>) dst(%arg8 : memref<128x128xf32, #tpu.memory_space<vmem>>)
      tpu.yield
    }) : () -> ()
    "tpu.region"() ({
      %run_scoped3A = tpu.sem_alloc : memref<!tpu.dma_semaphore, #tpu.memory_space<semaphore_mem>>
      %dma_start3A_36 = arith.constant 0 : i32
      %dma_start3A_37 = arith.constant 0 : i32
      %dma_start3A_38 = tpu.memref_slice %arg2[%mul3A_2, %dma_start3A_36, %dma_start3A_37] : memref<2624x2x128xi32, #tpu.memory_space<hbm>> -> memref<1x2x128xi32, #tpu.memory_space<hbm>>
      %dma_start3A_39 = tpu.memref_squeeze %dma_start3A_38 : memref<1x2x128xi32, #tpu.memory_space<hbm>> -> memref<2x128xi32, #tpu.memory_space<hbm>>
      %dma_start3A_40 = arith.constant 0 : i32
      %dma_start3A_41 = arith.constant 0 : i32
      %dma_start3A_42 = tpu.memref_slice %arg2[%mul3A_2, %dma_start3A_40, %dma_start3A_41] : memref<2624x2x128xi32, #tpu.memory_space<hbm>> -> memref<1x2x128xi32, #tpu.memory_space<hbm>>
      %dma_start3A_43 = tpu.memref_squeeze %dma_start3A_42 : memref<1x2x128xi32, #tpu.memory_space<hbm>> -> memref<2x128xi32, #tpu.memory_space<hbm>>
      tpu.enqueue_dma source(%dma_start3A_43 : memref<2x128xi32, #tpu.memory_space<hbm>>) target(%arg6 : memref<2x128xi32, #tpu.memory_space<vmem>>) target_semaphore(%run_scoped3A : memref<!tpu.dma_semaphore, #tpu.memory_space<semaphore_mem>>)
      %dma_wait3A_44 = arith.constant 0 : i32
      %dma_wait3A_45 = arith.constant 0 : i32
      %dma_wait3A_46 = tpu.memref_slice %arg2[%mul3A_2, %dma_wait3A_44, %dma_wait3A_45] : memref<2624x2x128xi32, #tpu.memory_space<hbm>> -> memref<1x2x128xi32, #tpu.memory_space<hbm>>
      %dma_wait3A_47 = tpu.memref_squeeze %dma_wait3A_46 : memref<1x2x128xi32, #tpu.memory_space<hbm>> -> memref<2x128xi32, #tpu.memory_space<hbm>>
      %dma_wait3A_48 = arith.constant 0 : i32
      %dma_wait3A_49 = arith.constant 0 : i32
      %dma_wait3A_50 = tpu.memref_slice %arg2[%mul3A_2, %dma_wait3A_48, %dma_wait3A_49] : memref<2624x2x128xi32, #tpu.memory_space<hbm>> -> memref<1x2x128xi32, #tpu.memory_space<hbm>>
      %dma_wait3A_51 = tpu.memref_squeeze %dma_wait3A_50 : memref<1x2x128xi32, #tpu.memory_space<hbm>> -> memref<2x128xi32, #tpu.memory_space<hbm>>
      tpu.wait_dma2 semaphore(%run_scoped3A : memref<!tpu.dma_semaphore, #tpu.memory_space<semaphore_mem>>) src(%dma_wait3A_51 : memref<2x128xi32, #tpu.memory_space<hbm>>) dst(%arg6 : memref<2x128xi32, #tpu.memory_space<vmem>>)
      tpu.yield
    }) : () -> ()
    %barrier3A = arith.constant 0 : index
    tpu.barrier barrier_id(%barrier3A)
    %add3A_7 = arith.constant 1 : i32
    %add3A_8 = arith.addi %mul3A_2, %add3A_7 : i32
    %dma_start3A = arith.constant 0 : i32
    %dma_start3A_9 = arith.constant 0 : i32
    %dma_start3A_10 = tpu.memref_slice %arg2[%add3A_8, %dma_start3A, %dma_start3A_9] : memref<2624x2x128xi32, #tpu.memory_space<hbm>> -> memref<1x2x128xi32, #tpu.memory_space<hbm>>
    %dma_start3A_11 = tpu.memref_squeeze %dma_start3A_10 : memref<1x2x128xi32, #tpu.memory_space<hbm>> -> memref<2x128xi32, #tpu.memory_space<hbm>>
    %dma_start3A_12 = arith.constant 0 : i32
    %dma_start3A_13 = arith.constant 0 : i32
    %dma_start3A_14 = tpu.memref_slice %arg2[%add3A_8, %dma_start3A_12, %dma_start3A_13] : memref<2624x2x128xi32, #tpu.memory_space<hbm>> -> memref<1x2x128xi32, #tpu.memory_space<hbm>>
    %dma_start3A_15 = tpu.memref_squeeze %dma_start3A_14 : memref<1x2x128xi32, #tpu.memory_space<hbm>> -> memref<2x128xi32, #tpu.memory_space<hbm>>
    tpu.enqueue_dma source(%dma_start3A_15 : memref<2x128xi32, #tpu.memory_space<hbm>>) target(%arg7 : memref<2x128xi32, #tpu.memory_space<vmem>>) target_semaphore(%arg11 : memref<!tpu.dma_semaphore, #tpu.memory_space<semaphore_mem>>)
    %scan3A = arith.constant 0 : i32
    %scan3A_16 = arith.constant 40 : i32
    %scan3A_17 = arith.addi %scan3A, %scan3A_16 : i32
    %scan3A_18 = arith.constant 1 : i32
    scf.for %scan3A_36 = %scan3A to %scan3A_17 step %scan3A_18  : i32 {
      %mul3A_37 = arith.constant 1 : i32
      %mul3A_38 = arith.muli %scan3A_36, %mul3A_37 : i32
      %add3A_39 = arith.constant 0 : i32
      %add3A_40 = arith.addi %add3A_39, %mul3A_38 : i32
      %mul3A_41 = arith.constant 2 : i32
      %mul3A_42 = arith.muli %mul3A_41, %add3A_40 : i32
      %run_scoped3A = arith.constant 1 : i32
      "tpu.region"() ({
        %run_scoped3A_88 = tpu.sem_alloc : memref<!tpu.dma_semaphore, #tpu.memory_space<semaphore_mem>>
        %dma_start3A_89 = arith.constant 0 : i32
        %dma_start3A_90 = tpu.memref_slice %arg6[%run_scoped3A, %dma_start3A_89] : memref<2x128xi32, #tpu.memory_space<vmem>> -> memref<1x128xi32, #tpu.memory_space<vmem>>
        %dma_start3A_91 = tpu.memref_squeeze %dma_start3A_90 : memref<1x128xi32, #tpu.memory_space<vmem>> -> memref<128xi32, #tpu.memory_space<vmem>>
        %dma_start3A_92 = arith.constant 0 : i32
        %dma_start3A_93 = arith.constant 0 : i32
        %dma_start3A_94 = tpu.memref_slice %arg9[%dma_start3A_92, %dma_start3A_93] : memref<10240x128xf32, #tpu.memory_space<vmem_shared>> -> memref<10240x128xf32, #tpu.memory_space<vmem_shared>>
        tpu.enqueue_indirect_dma source(%arg8 : memref<128x128xf32, #tpu.memory_space<vmem>>) target(%dma_start3A_94 : memref<10240x128xf32, #tpu.memory_space<vmem_shared>>) offsets(%dma_start3A_91 : memref<128xi32, #tpu.memory_space<vmem>>) semaphore(%run_scoped3A_88 : memref<!tpu.dma_semaphore, #tpu.memory_space<semaphore_mem>>) {add = true}
        %dma_wait3A_95 = arith.constant 0 : i32
        %dma_wait3A_96 = tpu.memref_slice %arg6[%run_scoped3A, %dma_wait3A_95] : memref<2x128xi32, #tpu.memory_space<vmem>> -> memref<1x128xi32, #tpu.memory_space<vmem>>
        %dma_wait3A_97 = tpu.memref_squeeze %dma_wait3A_96 : memref<1x128xi32, #tpu.memory_space<vmem>> -> memref<128xi32, #tpu.memory_space<vmem>>
        %dma_wait3A_98 = arith.constant 0 : i32
        %dma_wait3A_99 = arith.constant 0 : i32
        %dma_wait3A_100 = tpu.memref_slice %arg9[%dma_wait3A_98, %dma_wait3A_99] : memref<10240x128xf32, #tpu.memory_space<vmem_shared>> -> memref<10240x128xf32, #tpu.memory_space<vmem_shared>>
        tpu.wait_indirect_dma semaphore(%run_scoped3A_88 : memref<!tpu.dma_semaphore, #tpu.memory_space<semaphore_mem>>) src(%arg8 : memref<128x128xf32, #tpu.memory_space<vmem>>) dst(%dma_wait3A_100 : memref<10240x128xf32, #tpu.memory_space<vmem_shared>>)
        tpu.yield
      }) : () -> ()
      %add3A_43 = arith.addi %mul3A_2, %mul3A_42 : i32
      %add3A_44 = arith.constant 1 : i32
      %add3A_45 = arith.addi %add3A_43, %add3A_44 : i32
      %dma_wait3A_46 = arith.constant 0 : i32
      %dma_wait3A_47 = arith.constant 0 : i32
      %dma_wait3A_48 = tpu.memref_slice %arg2[%add3A_45, %dma_wait3A_46, %dma_wait3A_47] : memref<2624x2x128xi32, #tpu.memory_space<hbm>> -> memref<1x2x128xi32, #tpu.memory_space<hbm>>
      %dma_wait3A_49 = tpu.memref_squeeze %dma_wait3A_48 : memref<1x2x128xi32, #tpu.memory_space<hbm>> -> memref<2x128xi32, #tpu.memory_space<hbm>>
      %dma_wait3A_50 = arith.constant 0 : i32
      %dma_wait3A_51 = arith.constant 0 : i32
      %dma_wait3A_52 = tpu.memref_slice %arg2[%add3A_45, %dma_wait3A_50, %dma_wait3A_51] : memref<2624x2x128xi32, #tpu.memory_space<hbm>> -> memref<1x2x128xi32, #tpu.memory_space<hbm>>
      %dma_wait3A_53 = tpu.memref_squeeze %dma_wait3A_52 : memref<1x2x128xi32, #tpu.memory_space<hbm>> -> memref<2x128xi32, #tpu.memory_space<hbm>>
      tpu.wait_dma2 semaphore(%arg11 : memref<!tpu.dma_semaphore, #tpu.memory_space<semaphore_mem>>) src(%dma_wait3A_53 : memref<2x128xi32, #tpu.memory_space<hbm>>) dst(%arg7 : memref<2x128xi32, #tpu.memory_space<vmem>>)
      %add3A_54 = arith.addi %mul3A_2, %mul3A_42 : i32
      %add3A_55 = arith.constant 2 : i32
      %add3A_56 = arith.addi %add3A_54, %add3A_55 : i32
      %dma_start3A_57 = arith.constant 0 : i32
      %dma_start3A_58 = arith.constant 0 : i32
      %dma_start3A_59 = tpu.memref_slice %arg2[%add3A_56, %dma_start3A_57, %dma_start3A_58] : memref<2624x2x128xi32, #tpu.memory_space<hbm>> -> memref<1x2x128xi32, #tpu.memory_space<hbm>>
      %dma_start3A_60 = tpu.memref_squeeze %dma_start3A_59 : memref<1x2x128xi32, #tpu.memory_space<hbm>> -> memref<2x128xi32, #tpu.memory_space<hbm>>
      %dma_start3A_61 = arith.constant 0 : i32
      %dma_start3A_62 = arith.constant 0 : i32
      %dma_start3A_63 = tpu.memref_slice %arg2[%add3A_56, %dma_start3A_61, %dma_start3A_62] : memref<2624x2x128xi32, #tpu.memory_space<hbm>> -> memref<1x2x128xi32, #tpu.memory_space<hbm>>
      %dma_start3A_64 = tpu.memref_squeeze %dma_start3A_63 : memref<1x2x128xi32, #tpu.memory_space<hbm>> -> memref<2x128xi32, #tpu.memory_space<hbm>>
      tpu.enqueue_dma source(%dma_start3A_64 : memref<2x128xi32, #tpu.memory_space<hbm>>) target(%arg6 : memref<2x128xi32, #tpu.memory_space<vmem>>) target_semaphore(%arg10 : memref<!tpu.dma_semaphore, #tpu.memory_space<semaphore_mem>>)
      %run_scoped3A_65 = arith.constant 1 : i32
      "tpu.region"() ({
        %run_scoped3A_88 = tpu.sem_alloc : memref<!tpu.dma_semaphore, #tpu.memory_space<semaphore_mem>>
        %dma_start3A_89 = arith.constant 0 : i32
        %dma_start3A_90 = tpu.memref_slice %arg7[%run_scoped3A_65, %dma_start3A_89] : memref<2x128xi32, #tpu.memory_space<vmem>> -> memref<1x128xi32, #tpu.memory_space<vmem>>
        %dma_start3A_91 = tpu.memref_squeeze %dma_start3A_90 : memref<1x128xi32, #tpu.memory_space<vmem>> -> memref<128xi32, #tpu.memory_space<vmem>>
        %dma_start3A_92 = arith.constant 0 : i32
        %dma_start3A_93 = arith.constant 0 : i32
        %dma_start3A_94 = tpu.memref_slice %arg9[%dma_start3A_92, %dma_start3A_93] : memref<10240x128xf32, #tpu.memory_space<vmem_shared>> -> memref<10240x128xf32, #tpu.memory_space<vmem_shared>>
        tpu.enqueue_indirect_dma source(%arg8 : memref<128x128xf32, #tpu.memory_space<vmem>>) target(%dma_start3A_94 : memref<10240x128xf32, #tpu.memory_space<vmem_shared>>) offsets(%dma_start3A_91 : memref<128xi32, #tpu.memory_space<vmem>>) semaphore(%run_scoped3A_88 : memref<!tpu.dma_semaphore, #tpu.memory_space<semaphore_mem>>) {add = true}
        %dma_wait3A_95 = arith.constant 0 : i32
        %dma_wait3A_96 = tpu.memref_slice %arg7[%run_scoped3A_65, %dma_wait3A_95] : memref<2x128xi32, #tpu.memory_space<vmem>> -> memref<1x128xi32, #tpu.memory_space<vmem>>
        %dma_wait3A_97 = tpu.memref_squeeze %dma_wait3A_96 : memref<1x128xi32, #tpu.memory_space<vmem>> -> memref<128xi32, #tpu.memory_space<vmem>>
        %dma_wait3A_98 = arith.constant 0 : i32
        %dma_wait3A_99 = arith.constant 0 : i32
        %dma_wait3A_100 = tpu.memref_slice %arg9[%dma_wait3A_98, %dma_wait3A_99] : memref<10240x128xf32, #tpu.memory_space<vmem_shared>> -> memref<10240x128xf32, #tpu.memory_space<vmem_shared>>
        tpu.wait_indirect_dma semaphore(%run_scoped3A_88 : memref<!tpu.dma_semaphore, #tpu.memory_space<semaphore_mem>>) src(%arg8 : memref<128x128xf32, #tpu.memory_space<vmem>>) dst(%dma_wait3A_100 : memref<10240x128xf32, #tpu.memory_space<vmem_shared>>)
        tpu.yield
      }) : () -> ()
      %add3A_66 = arith.addi %mul3A_2, %mul3A_42 : i32
      %add3A_67 = arith.constant 2 : i32
      %add3A_68 = arith.addi %add3A_66, %add3A_67 : i32
      %dma_wait3A_69 = arith.constant 0 : i32
      %dma_wait3A_70 = arith.constant 0 : i32
      %dma_wait3A_71 = tpu.memref_slice %arg2[%add3A_68, %dma_wait3A_69, %dma_wait3A_70] : memref<2624x2x128xi32, #tpu.memory_space<hbm>> -> memref<1x2x128xi32, #tpu.memory_space<hbm>>
      %dma_wait3A_72 = tpu.memref_squeeze %dma_wait3A_71 : memref<1x2x128xi32, #tpu.memory_space<hbm>> -> memref<2x128xi32, #tpu.memory_space<hbm>>
      %dma_wait3A_73 = arith.constant 0 : i32
      %dma_wait3A_74 = arith.constant 0 : i32
      %dma_wait3A_75 = tpu.memref_slice %arg2[%add3A_68, %dma_wait3A_73, %dma_wait3A_74] : memref<2624x2x128xi32, #tpu.memory_space<hbm>> -> memref<1x2x128xi32, #tpu.memory_space<hbm>>
      %dma_wait3A_76 = tpu.memref_squeeze %dma_wait3A_75 : memref<1x2x128xi32, #tpu.memory_space<hbm>> -> memref<2x128xi32, #tpu.memory_space<hbm>>
      tpu.wait_dma2 semaphore(%arg10 : memref<!tpu.dma_semaphore, #tpu.memory_space<semaphore_mem>>) src(%dma_wait3A_76 : memref<2x128xi32, #tpu.memory_space<hbm>>) dst(%arg6 : memref<2x128xi32, #tpu.memory_space<vmem>>)
      %add3A_77 = arith.addi %mul3A_2, %mul3A_42 : i32
      %add3A_78 = arith.constant 3 : i32
      %add3A_79 = arith.addi %add3A_77, %add3A_78 : i32
      %dma_start3A_80 = arith.constant 0 : i32
      %dma_start3A_81 = arith.constant 0 : i32
      %dma_start3A_82 = tpu.memref_slice %arg2[%add3A_79, %dma_start3A_80, %dma_start3A_81] : memref<2624x2x128xi32, #tpu.memory_space<hbm>> -> memref<1x2x128xi32, #tpu.memory_space<hbm>>
      %dma_start3A_83 = tpu.memref_squeeze %dma_start3A_82 : memref<1x2x128xi32, #tpu.memory_space<hbm>> -> memref<2x128xi32, #tpu.memory_space<hbm>>
      %dma_start3A_84 = arith.constant 0 : i32
      %dma_start3A_85 = arith.constant 0 : i32
      %dma_start3A_86 = tpu.memref_slice %arg2[%add3A_79, %dma_start3A_84, %dma_start3A_85] : memref<2624x2x128xi32, #tpu.memory_space<hbm>> -> memref<1x2x128xi32, #tpu.memory_space<hbm>>
      %dma_start3A_87 = tpu.memref_squeeze %dma_start3A_86 : memref<1x2x128xi32, #tpu.memory_space<hbm>> -> memref<2x128xi32, #tpu.memory_space<hbm>>
      tpu.enqueue_dma source(%dma_start3A_87 : memref<2x128xi32, #tpu.memory_space<hbm>>) target(%arg7 : memref<2x128xi32, #tpu.memory_space<vmem>>) target_semaphore(%arg11 : memref<!tpu.dma_semaphore, #tpu.memory_space<semaphore_mem>>)
    }
    %scan3A_19 = arith.constant 40 : i32
    %add3A_20 = arith.constant 80 : i32
    %add3A_21 = arith.addi %mul3A_2, %add3A_20 : i32
    %add3A_22 = arith.constant 1 : i32
    %add3A_23 = arith.addi %add3A_21, %add3A_22 : i32
    %dma_wait3A = arith.constant 0 : i32
    %dma_wait3A_24 = arith.constant 0 : i32
    %dma_wait3A_25 = tpu.memref_slice %arg2[%add3A_23, %dma_wait3A, %dma_wait3A_24] : memref<2624x2x128xi32, #tpu.memory_space<hbm>> -> memref<1x2x128xi32, #tpu.memory_space<hbm>>
    %dma_wait3A_26 = tpu.memref_squeeze %dma_wait3A_25 : memref<1x2x128xi32, #tpu.memory_space<hbm>> -> memref<2x128xi32, #tpu.memory_space<hbm>>
    %dma_wait3A_27 = arith.constant 0 : i32
    %dma_wait3A_28 = arith.constant 0 : i32
    %dma_wait3A_29 = tpu.memref_slice %arg2[%add3A_23, %dma_wait3A_27, %dma_wait3A_28] : memref<2624x2x128xi32, #tpu.memory_space<hbm>> -> memref<1x2x128xi32, #tpu.memory_space<hbm>>
    %dma_wait3A_30 = tpu.memref_squeeze %dma_wait3A_29 : memref<1x2x128xi32, #tpu.memory_space<hbm>> -> memref<2x128xi32, #tpu.memory_space<hbm>>
    tpu.wait_dma2 semaphore(%arg11 : memref<!tpu.dma_semaphore, #tpu.memory_space<semaphore_mem>>) src(%dma_wait3A_30 : memref<2x128xi32, #tpu.memory_space<hbm>>) dst(%arg7 : memref<2x128xi32, #tpu.memory_space<vmem>>)
    %barrier3A_31 = arith.constant 0 : index
    tpu.barrier barrier_id(%barrier3A_31)
    %mul3A_32 = arith.constant 640 : i32
    %mul3A_33 = arith.muli %arg1, %mul3A_32 : i32
    %mul3A_34 = arith.constant 640 : i32
    %mul3A_35 = arith.muli %arg1, %mul3A_34 : i32
    "tpu.region"() ({
      %run_scoped3A = tpu.sem_alloc : memref<!tpu.dma_semaphore, #tpu.memory_space<semaphore_mem>>
      %dma_start3A_36 = arith.constant 0 : i32
      %dma_start3A_37 = arith.constant 0 : i32
      %dma_start3A_38 = tpu.memref_slice %arg5[%arg0, %dma_start3A_36, %dma_start3A_37] : memref<2x10240x128xf32, #tpu.memory_space<hbm>> -> memref<1x10240x128xf32, #tpu.memory_space<hbm>>
      %dma_start3A_39 = tpu.memref_squeeze %dma_start3A_38 : memref<1x10240x128xf32, #tpu.memory_space<hbm>> -> memref<10240x128xf32, #tpu.memory_space<hbm>>
      %dma_start3A_40 = arith.constant 0 : i32
      %dma_start3A_41 = tpu.memref_slice %dma_start3A_39[%mul3A_35, %dma_start3A_40] : memref<10240x128xf32, #tpu.memory_space<hbm>> -> memref<640x128xf32, #tpu.memory_space<hbm>>
      %dma_start3A_42 = arith.constant 0 : i32
      %dma_start3A_43 = tpu.memref_slice %arg9[%mul3A_33, %dma_start3A_42] : memref<10240x128xf32, #tpu.memory_space<vmem_shared>> -> memref<640x128xf32, #tpu.memory_space<vmem_shared>>
      tpu.enqueue_dma source(%dma_start3A_43 : memref<640x128xf32, #tpu.memory_space<vmem_shared>>) target(%dma_start3A_41 : memref<640x128xf32, #tpu.memory_space<hbm>>) target_semaphore(%run_scoped3A : memref<!tpu.dma_semaphore, #tpu.memory_space<semaphore_mem>>)
      %dma_wait3A_44 = arith.constant 0 : i32
      %dma_wait3A_45 = arith.constant 0 : i32
      %dma_wait3A_46 = tpu.memref_slice %arg5[%arg0, %dma_wait3A_44, %dma_wait3A_45] : memref<2x10240x128xf32, #tpu.memory_space<hbm>> -> memref<1x10240x128xf32, #tpu.memory_space<hbm>>
      %dma_wait3A_47 = tpu.memref_squeeze %dma_wait3A_46 : memref<1x10240x128xf32, #tpu.memory_space<hbm>> -> memref<10240x128xf32, #tpu.memory_space<hbm>>
      %dma_wait3A_48 = arith.constant 0 : i32
      %dma_wait3A_49 = tpu.memref_slice %dma_wait3A_47[%mul3A_35, %dma_wait3A_48] : memref<10240x128xf32, #tpu.memory_space<hbm>> -> memref<640x128xf32, #tpu.memory_space<hbm>>
      %dma_wait3A_50 = arith.constant 0 : i32
      %dma_wait3A_51 = tpu.memref_slice %arg9[%mul3A_33, %dma_wait3A_50] : memref<10240x128xf32, #tpu.memory_space<vmem_shared>> -> memref<640x128xf32, #tpu.memory_space<vmem_shared>>
      tpu.wait_dma2 semaphore(%run_scoped3A : memref<!tpu.dma_semaphore, #tpu.memory_space<semaphore_mem>>) src(%dma_wait3A_51 : memref<640x128xf32, #tpu.memory_space<vmem_shared>>) dst(%dma_wait3A_49 : memref<640x128xf32, #tpu.memory_space<hbm>>)
      tpu.yield
    }) : () -> ()
    return
  }
}

#map = affine_map<(d0, d1) -> (0, 0)>
#map1 = affine_map<(d0, d1) -> (0)>
#map2 = affine_map<(d0, d1) -> (0, 0, 0)>
module attributes {stable_mosaic.version = 14 : i64} {
  func.func @conv_kernel(%arg0: i32, %arg1: i32, %arg2: memref<10240x128xf32, #tpu.memory_space<hbm>>, %arg3: memref<331776xi32, #tpu.memory_space<hbm>>, %arg4: memref<331776xi32, #tpu.memory_space<hbm>>, %arg5: memref<10240x128xf32, #tpu.memory_space<hbm>>, %arg6: memref<2x10240x128xf32, #tpu.memory_space<hbm>>, %arg7: memref<128xi32, #tpu.memory_space<vmem>>, %arg8: memref<128xi32, #tpu.memory_space<vmem>>, %arg9: memref<128x128xf32, #tpu.memory_space<vmem>>, %arg10: memref<10240x128xf32, #tpu.memory_space<vmem_shared>>, %arg11: memref<!tpu.dma_semaphore, #tpu.memory_space<semaphore_mem>>) attributes {dimension_semantics = [#tpu.dimension_semantics<core_parallel>, #tpu.dimension_semantics<subcore_parallel>], iteration_bounds = array<i64: 2, 16>, scalar_prefetch = 0 : i64, scratch_operands = 5 : i64, tpu.core_type = #tpu.core_type<sc_vector_subcore>, window_params = [{transform_indices = #map}, {transform_indices = #map1}, {transform_indices = #map1}, {transform_indices = #map}, {transform_indices = #map2}]} {
    %mul3A = arith.constant 2 : i32
    %mul3A_0 = arith.muli %arg1, %mul3A : i32
    %add3A = arith.addi %mul3A_0, %arg0 : i32
    %mul3A_1 = arith.constant 81 : i32
    %mul3A_2 = arith.muli %add3A, %mul3A_1 : i32
    %mul3A_3 = arith.constant 128 : i32
    %mul3A_4 = arith.muli %mul3A_2, %mul3A_3 : i32
    %mul3A_5 = arith.constant 640 : i32
    %mul3A_6 = arith.muli %arg1, %mul3A_5 : i32
    %mul3A_7 = arith.constant 640 : i32
    %mul3A_8 = arith.muli %arg1, %mul3A_7 : i32
    "tpu.region"() ({
      %run_scoped3A = tpu.sem_alloc : memref<!tpu.dma_semaphore, #tpu.memory_space<semaphore_mem>>
      %dma_start3A = arith.constant 0 : i32
      %dma_start3A_18 = tpu.memref_slice %arg10[%mul3A_8, %dma_start3A] : memref<10240x128xf32, #tpu.memory_space<vmem_shared>> -> memref<640x128xf32, #tpu.memory_space<vmem_shared>>
      %dma_start3A_19 = arith.constant 0 : i32
      %dma_start3A_20 = tpu.memref_slice %arg5[%mul3A_6, %dma_start3A_19] : memref<10240x128xf32, #tpu.memory_space<hbm>> -> memref<640x128xf32, #tpu.memory_space<hbm>>
      tpu.enqueue_dma source(%dma_start3A_20 : memref<640x128xf32, #tpu.memory_space<hbm>>) target(%dma_start3A_18 : memref<640x128xf32, #tpu.memory_space<vmem_shared>>) target_semaphore(%run_scoped3A : memref<!tpu.dma_semaphore, #tpu.memory_space<semaphore_mem>>)
      %dma_wait3A = arith.constant 0 : i32
      %dma_wait3A_21 = tpu.memref_slice %arg10[%mul3A_8, %dma_wait3A] : memref<10240x128xf32, #tpu.memory_space<vmem_shared>> -> memref<640x128xf32, #tpu.memory_space<vmem_shared>>
      %dma_wait3A_22 = arith.constant 0 : i32
      %dma_wait3A_23 = tpu.memref_slice %arg5[%mul3A_6, %dma_wait3A_22] : memref<10240x128xf32, #tpu.memory_space<hbm>> -> memref<640x128xf32, #tpu.memory_space<hbm>>
      tpu.wait_dma2 semaphore(%run_scoped3A : memref<!tpu.dma_semaphore, #tpu.memory_space<semaphore_mem>>) src(%dma_wait3A_23 : memref<640x128xf32, #tpu.memory_space<hbm>>) dst(%dma_wait3A_21 : memref<640x128xf32, #tpu.memory_space<vmem_shared>>)
      tpu.yield
    }) : () -> ()
    %barrier3A = arith.constant 0 : index
    tpu.barrier barrier_id(%barrier3A)
    %scan3A = arith.constant 0 : i32
    %scan3A_9 = arith.constant 80 : i32
    %scan3A_10 = arith.addi %scan3A, %scan3A_9 : i32
    %scan3A_11 = arith.constant 1 : i32
    scf.for %scan3A_18 = %scan3A to %scan3A_10 step %scan3A_11  : i32 {
      %mul3A_19 = arith.constant 1 : i32
      %mul3A_20 = arith.muli %scan3A_18, %mul3A_19 : i32
      %add3A_21 = arith.constant 0 : i32
      %add3A_22 = arith.addi %add3A_21, %mul3A_20 : i32
      %mul3A_23 = arith.constant 128 : i32
      %mul3A_24 = arith.muli %add3A_22, %mul3A_23 : i32
      %add3A_25 = arith.addi %mul3A_4, %mul3A_24 : i32
      "tpu.region"() ({
        %run_scoped3A = tpu.sem_alloc : memref<!tpu.dma_semaphore, #tpu.memory_space<semaphore_mem>>
        %dma_start3A_30 = tpu.memref_slice %arg3[%add3A_25] : memref<331776xi32, #tpu.memory_space<hbm>> -> memref<128xi32, #tpu.memory_space<hbm>>
        %dma_start3A_31 = tpu.memref_slice %arg3[%add3A_25] : memref<331776xi32, #tpu.memory_space<hbm>> -> memref<128xi32, #tpu.memory_space<hbm>>
        tpu.enqueue_dma source(%dma_start3A_31 : memref<128xi32, #tpu.memory_space<hbm>>) target(%arg7 : memref<128xi32, #tpu.memory_space<vmem>>) target_semaphore(%run_scoped3A : memref<!tpu.dma_semaphore, #tpu.memory_space<semaphore_mem>>)
        %dma_wait3A_32 = tpu.memref_slice %arg3[%add3A_25] : memref<331776xi32, #tpu.memory_space<hbm>> -> memref<128xi32, #tpu.memory_space<hbm>>
        %dma_wait3A_33 = tpu.memref_slice %arg3[%add3A_25] : memref<331776xi32, #tpu.memory_space<hbm>> -> memref<128xi32, #tpu.memory_space<hbm>>
        tpu.wait_dma2 semaphore(%run_scoped3A : memref<!tpu.dma_semaphore, #tpu.memory_space<semaphore_mem>>) src(%dma_wait3A_33 : memref<128xi32, #tpu.memory_space<hbm>>) dst(%arg7 : memref<128xi32, #tpu.memory_space<vmem>>)
        tpu.yield
      }) : () -> ()
      "tpu.region"() ({
        %run_scoped3A = tpu.sem_alloc : memref<!tpu.dma_semaphore, #tpu.memory_space<semaphore_mem>>
        %dma_start3A_30 = tpu.memref_slice %arg4[%add3A_25] : memref<331776xi32, #tpu.memory_space<hbm>> -> memref<128xi32, #tpu.memory_space<hbm>>
        %dma_start3A_31 = tpu.memref_slice %arg4[%add3A_25] : memref<331776xi32, #tpu.memory_space<hbm>> -> memref<128xi32, #tpu.memory_space<hbm>>
        tpu.enqueue_dma source(%dma_start3A_31 : memref<128xi32, #tpu.memory_space<hbm>>) target(%arg8 : memref<128xi32, #tpu.memory_space<vmem>>) target_semaphore(%run_scoped3A : memref<!tpu.dma_semaphore, #tpu.memory_space<semaphore_mem>>)
        %dma_wait3A_32 = tpu.memref_slice %arg4[%add3A_25] : memref<331776xi32, #tpu.memory_space<hbm>> -> memref<128xi32, #tpu.memory_space<hbm>>
        %dma_wait3A_33 = tpu.memref_slice %arg4[%add3A_25] : memref<331776xi32, #tpu.memory_space<hbm>> -> memref<128xi32, #tpu.memory_space<hbm>>
        tpu.wait_dma2 semaphore(%run_scoped3A : memref<!tpu.dma_semaphore, #tpu.memory_space<semaphore_mem>>) src(%dma_wait3A_33 : memref<128xi32, #tpu.memory_space<hbm>>) dst(%arg8 : memref<128xi32, #tpu.memory_space<vmem>>)
        tpu.yield
      }) : () -> ()
      %dma_start3A = arith.constant 0 : i32
      %dma_start3A_26 = arith.constant 0 : i32
      %dma_start3A_27 = tpu.memref_slice %arg2[%dma_start3A, %dma_start3A_26] : memref<10240x128xf32, #tpu.memory_space<hbm>> -> memref<10240x128xf32, #tpu.memory_space<hbm>>
      tpu.enqueue_indirect_dma source(%dma_start3A_27 : memref<10240x128xf32, #tpu.memory_space<hbm>>) target(%arg9 : memref<128x128xf32, #tpu.memory_space<vmem>>) offsets(%arg7 : memref<128xi32, #tpu.memory_space<vmem>>) semaphore(%arg11 : memref<!tpu.dma_semaphore, #tpu.memory_space<semaphore_mem>>)
      %dma_wait3A = arith.constant 0 : i32
      %dma_wait3A_28 = arith.constant 0 : i32
      %dma_wait3A_29 = tpu.memref_slice %arg2[%dma_wait3A, %dma_wait3A_28] : memref<10240x128xf32, #tpu.memory_space<hbm>> -> memref<10240x128xf32, #tpu.memory_space<hbm>>
      tpu.wait_indirect_dma semaphore(%arg11 : memref<!tpu.dma_semaphore, #tpu.memory_space<semaphore_mem>>) src(%dma_wait3A_29 : memref<10240x128xf32, #tpu.memory_space<hbm>>) dst(%arg9 : memref<128x128xf32, #tpu.memory_space<vmem>>)
      "tpu.region"() ({
        %run_scoped3A = tpu.sem_alloc : memref<!tpu.dma_semaphore, #tpu.memory_space<semaphore_mem>>
        %dma_start3A_30 = arith.constant 0 : i32
        %dma_start3A_31 = arith.constant 0 : i32
        %dma_start3A_32 = tpu.memref_slice %arg10[%dma_start3A_30, %dma_start3A_31] : memref<10240x128xf32, #tpu.memory_space<vmem_shared>> -> memref<10240x128xf32, #tpu.memory_space<vmem_shared>>
        tpu.enqueue_indirect_dma source(%arg9 : memref<128x128xf32, #tpu.memory_space<vmem>>) target(%dma_start3A_32 : memref<10240x128xf32, #tpu.memory_space<vmem_shared>>) offsets(%arg8 : memref<128xi32, #tpu.memory_space<vmem>>) semaphore(%run_scoped3A : memref<!tpu.dma_semaphore, #tpu.memory_space<semaphore_mem>>) {add = true}
        %dma_wait3A_33 = arith.constant 0 : i32
        %dma_wait3A_34 = arith.constant 0 : i32
        %dma_wait3A_35 = tpu.memref_slice %arg10[%dma_wait3A_33, %dma_wait3A_34] : memref<10240x128xf32, #tpu.memory_space<vmem_shared>> -> memref<10240x128xf32, #tpu.memory_space<vmem_shared>>
        tpu.wait_indirect_dma semaphore(%run_scoped3A : memref<!tpu.dma_semaphore, #tpu.memory_space<semaphore_mem>>) src(%arg9 : memref<128x128xf32, #tpu.memory_space<vmem>>) dst(%dma_wait3A_35 : memref<10240x128xf32, #tpu.memory_space<vmem_shared>>)
        tpu.yield
      }) : () -> ()
    }
    %scan3A_12 = arith.constant 80 : i32
    %barrier3A_13 = arith.constant 0 : index
    tpu.barrier barrier_id(%barrier3A_13)
    %mul3A_14 = arith.constant 640 : i32
    %mul3A_15 = arith.muli %arg1, %mul3A_14 : i32
    %mul3A_16 = arith.constant 640 : i32
    %mul3A_17 = arith.muli %arg1, %mul3A_16 : i32
    "tpu.region"() ({
      %run_scoped3A = tpu.sem_alloc : memref<!tpu.dma_semaphore, #tpu.memory_space<semaphore_mem>>
      %dma_start3A = arith.constant 0 : i32
      %dma_start3A_18 = arith.constant 0 : i32
      %dma_start3A_19 = tpu.memref_slice %arg6[%arg0, %dma_start3A, %dma_start3A_18] : memref<2x10240x128xf32, #tpu.memory_space<hbm>> -> memref<1x10240x128xf32, #tpu.memory_space<hbm>>
      %dma_start3A_20 = tpu.memref_squeeze %dma_start3A_19 : memref<1x10240x128xf32, #tpu.memory_space<hbm>> -> memref<10240x128xf32, #tpu.memory_space<hbm>>
      %dma_start3A_21 = arith.constant 0 : i32
      %dma_start3A_22 = tpu.memref_slice %dma_start3A_20[%mul3A_17, %dma_start3A_21] : memref<10240x128xf32, #tpu.memory_space<hbm>> -> memref<640x128xf32, #tpu.memory_space<hbm>>
      %dma_start3A_23 = arith.constant 0 : i32
      %dma_start3A_24 = tpu.memref_slice %arg10[%mul3A_15, %dma_start3A_23] : memref<10240x128xf32, #tpu.memory_space<vmem_shared>> -> memref<640x128xf32, #tpu.memory_space<vmem_shared>>
      tpu.enqueue_dma source(%dma_start3A_24 : memref<640x128xf32, #tpu.memory_space<vmem_shared>>) target(%dma_start3A_22 : memref<640x128xf32, #tpu.memory_space<hbm>>) target_semaphore(%run_scoped3A : memref<!tpu.dma_semaphore, #tpu.memory_space<semaphore_mem>>)
      %dma_wait3A = arith.constant 0 : i32
      %dma_wait3A_25 = arith.constant 0 : i32
      %dma_wait3A_26 = tpu.memref_slice %arg6[%arg0, %dma_wait3A, %dma_wait3A_25] : memref<2x10240x128xf32, #tpu.memory_space<hbm>> -> memref<1x10240x128xf32, #tpu.memory_space<hbm>>
      %dma_wait3A_27 = tpu.memref_squeeze %dma_wait3A_26 : memref<1x10240x128xf32, #tpu.memory_space<hbm>> -> memref<10240x128xf32, #tpu.memory_space<hbm>>
      %dma_wait3A_28 = arith.constant 0 : i32
      %dma_wait3A_29 = tpu.memref_slice %dma_wait3A_27[%mul3A_17, %dma_wait3A_28] : memref<10240x128xf32, #tpu.memory_space<hbm>> -> memref<640x128xf32, #tpu.memory_space<hbm>>
      %dma_wait3A_30 = arith.constant 0 : i32
      %dma_wait3A_31 = tpu.memref_slice %arg10[%mul3A_15, %dma_wait3A_30] : memref<10240x128xf32, #tpu.memory_space<vmem_shared>> -> memref<640x128xf32, #tpu.memory_space<vmem_shared>>
      tpu.wait_dma2 semaphore(%run_scoped3A : memref<!tpu.dma_semaphore, #tpu.memory_space<semaphore_mem>>) src(%dma_wait3A_31 : memref<640x128xf32, #tpu.memory_space<vmem_shared>>) dst(%dma_wait3A_29 : memref<640x128xf32, #tpu.memory_space<hbm>>)
      tpu.yield
    }) : () -> ()
    return
  }
}

#map = affine_map<(d0, d1) -> (0, 0)>
#map1 = affine_map<(d0, d1) -> (0)>
#map2 = affine_map<(d0, d1) -> (0, 0, 0)>
module attributes {stable_mosaic.version = 14 : i64} {
  func.func @conv_kernel(%arg0: i32, %arg1: i32, %arg2: memref<10240x128xf32, #tpu.memory_space<hbm>>, %arg3: memref<331776xi32, #tpu.memory_space<hbm>>, %arg4: memref<331776xi32, #tpu.memory_space<hbm>>, %arg5: memref<10240x128xf32, #tpu.memory_space<hbm>>, %arg6: memref<2x10240x128xf32, #tpu.memory_space<hbm>>, %arg7: memref<128xi32, #tpu.memory_space<vmem>>, %arg8: memref<128xi32, #tpu.memory_space<vmem>>, %arg9: memref<128x128xf32, #tpu.memory_space<vmem>>, %arg10: memref<10240x128xf32, #tpu.memory_space<vmem_shared>>, %arg11: memref<!tpu.dma_semaphore, #tpu.memory_space<semaphore_mem>>) attributes {dimension_semantics = [#tpu.dimension_semantics<core_parallel>, #tpu.dimension_semantics<subcore_parallel>], iteration_bounds = array<i64: 2, 16>, scalar_prefetch = 0 : i64, scratch_operands = 5 : i64, tpu.core_type = #tpu.core_type<sc_vector_subcore>, window_params = [{transform_indices = #map}, {transform_indices = #map1}, {transform_indices = #map1}, {transform_indices = #map}, {transform_indices = #map2}]} {
    %mul3A = arith.constant 2 : i32
    %mul3A_0 = arith.muli %arg1, %mul3A : i32
    %add3A = arith.addi %mul3A_0, %arg0 : i32
    %mul3A_1 = arith.constant 81 : i32
    %mul3A_2 = arith.muli %add3A, %mul3A_1 : i32
    %mul3A_3 = arith.constant 128 : i32
    %mul3A_4 = arith.muli %mul3A_2, %mul3A_3 : i32
    %mul3A_5 = arith.constant 640 : i32
    %mul3A_6 = arith.muli %arg1, %mul3A_5 : i32
    %mul3A_7 = arith.constant 640 : i32
    %mul3A_8 = arith.muli %arg1, %mul3A_7 : i32
    "tpu.region"() ({
      %run_scoped3A = tpu.sem_alloc : memref<!tpu.dma_semaphore, #tpu.memory_space<semaphore_mem>>
      %dma_start3A = arith.constant 0 : i32
      %dma_start3A_18 = tpu.memref_slice %arg10[%mul3A_8, %dma_start3A] : memref<10240x128xf32, #tpu.memory_space<vmem_shared>> -> memref<640x128xf32, #tpu.memory_space<vmem_shared>>
      %dma_start3A_19 = arith.constant 0 : i32
      %dma_start3A_20 = tpu.memref_slice %arg5[%mul3A_6, %dma_start3A_19] : memref<10240x128xf32, #tpu.memory_space<hbm>> -> memref<640x128xf32, #tpu.memory_space<hbm>>
      tpu.enqueue_dma source(%dma_start3A_20 : memref<640x128xf32, #tpu.memory_space<hbm>>) target(%dma_start3A_18 : memref<640x128xf32, #tpu.memory_space<vmem_shared>>) target_semaphore(%run_scoped3A : memref<!tpu.dma_semaphore, #tpu.memory_space<semaphore_mem>>)
      %dma_wait3A = arith.constant 0 : i32
      %dma_wait3A_21 = tpu.memref_slice %arg10[%mul3A_8, %dma_wait3A] : memref<10240x128xf32, #tpu.memory_space<vmem_shared>> -> memref<640x128xf32, #tpu.memory_space<vmem_shared>>
      %dma_wait3A_22 = arith.constant 0 : i32
      %dma_wait3A_23 = tpu.memref_slice %arg5[%mul3A_6, %dma_wait3A_22] : memref<10240x128xf32, #tpu.memory_space<hbm>> -> memref<640x128xf32, #tpu.memory_space<hbm>>
      tpu.wait_dma2 semaphore(%run_scoped3A : memref<!tpu.dma_semaphore, #tpu.memory_space<semaphore_mem>>) src(%dma_wait3A_23 : memref<640x128xf32, #tpu.memory_space<hbm>>) dst(%dma_wait3A_21 : memref<640x128xf32, #tpu.memory_space<vmem_shared>>)
      tpu.yield
    }) : () -> ()
    %barrier3A = arith.constant 0 : index
    tpu.barrier barrier_id(%barrier3A)
    %scan3A = arith.constant 0 : i32
    %scan3A_9 = arith.constant 80 : i32
    %scan3A_10 = arith.addi %scan3A, %scan3A_9 : i32
    %scan3A_11 = arith.constant 1 : i32
    scf.for %scan3A_18 = %scan3A to %scan3A_10 step %scan3A_11  : i32 {
      %mul3A_19 = arith.constant 1 : i32
      %mul3A_20 = arith.muli %scan3A_18, %mul3A_19 : i32
      %add3A_21 = arith.constant 0 : i32
      %add3A_22 = arith.addi %add3A_21, %mul3A_20 : i32
      %mul3A_23 = arith.constant 128 : i32
      %mul3A_24 = arith.muli %add3A_22, %mul3A_23 : i32
      %add3A_25 = arith.addi %mul3A_4, %mul3A_24 : i32
      "tpu.region"() ({
        %run_scoped3A = tpu.sem_alloc : memref<!tpu.dma_semaphore, #tpu.memory_space<semaphore_mem>>
        %dma_start3A_30 = tpu.memref_slice %arg3[%add3A_25] : memref<331776xi32, #tpu.memory_space<hbm>> -> memref<128xi32, #tpu.memory_space<hbm>>
        %dma_start3A_31 = tpu.memref_slice %arg3[%add3A_25] : memref<331776xi32, #tpu.memory_space<hbm>> -> memref<128xi32, #tpu.memory_space<hbm>>
        tpu.enqueue_dma source(%dma_start3A_31 : memref<128xi32, #tpu.memory_space<hbm>>) target(%arg7 : memref<128xi32, #tpu.memory_space<vmem>>) target_semaphore(%run_scoped3A : memref<!tpu.dma_semaphore, #tpu.memory_space<semaphore_mem>>)
        %dma_wait3A_32 = tpu.memref_slice %arg3[%add3A_25] : memref<331776xi32, #tpu.memory_space<hbm>> -> memref<128xi32, #tpu.memory_space<hbm>>
        %dma_wait3A_33 = tpu.memref_slice %arg3[%add3A_25] : memref<331776xi32, #tpu.memory_space<hbm>> -> memref<128xi32, #tpu.memory_space<hbm>>
        tpu.wait_dma2 semaphore(%run_scoped3A : memref<!tpu.dma_semaphore, #tpu.memory_space<semaphore_mem>>) src(%dma_wait3A_33 : memref<128xi32, #tpu.memory_space<hbm>>) dst(%arg7 : memref<128xi32, #tpu.memory_space<vmem>>)
        tpu.yield
      }) : () -> ()
      "tpu.region"() ({
        %run_scoped3A = tpu.sem_alloc : memref<!tpu.dma_semaphore, #tpu.memory_space<semaphore_mem>>
        %dma_start3A_30 = tpu.memref_slice %arg4[%add3A_25] : memref<331776xi32, #tpu.memory_space<hbm>> -> memref<128xi32, #tpu.memory_space<hbm>>
        %dma_start3A_31 = tpu.memref_slice %arg4[%add3A_25] : memref<331776xi32, #tpu.memory_space<hbm>> -> memref<128xi32, #tpu.memory_space<hbm>>
        tpu.enqueue_dma source(%dma_start3A_31 : memref<128xi32, #tpu.memory_space<hbm>>) target(%arg8 : memref<128xi32, #tpu.memory_space<vmem>>) target_semaphore(%run_scoped3A : memref<!tpu.dma_semaphore, #tpu.memory_space<semaphore_mem>>)
        %dma_wait3A_32 = tpu.memref_slice %arg4[%add3A_25] : memref<331776xi32, #tpu.memory_space<hbm>> -> memref<128xi32, #tpu.memory_space<hbm>>
        %dma_wait3A_33 = tpu.memref_slice %arg4[%add3A_25] : memref<331776xi32, #tpu.memory_space<hbm>> -> memref<128xi32, #tpu.memory_space<hbm>>
        tpu.wait_dma2 semaphore(%run_scoped3A : memref<!tpu.dma_semaphore, #tpu.memory_space<semaphore_mem>>) src(%dma_wait3A_33 : memref<128xi32, #tpu.memory_space<hbm>>) dst(%arg8 : memref<128xi32, #tpu.memory_space<vmem>>)
        tpu.yield
      }) : () -> ()
      %dma_start3A = arith.constant 0 : i32
      %dma_start3A_26 = arith.constant 0 : i32
      %dma_start3A_27 = tpu.memref_slice %arg2[%dma_start3A, %dma_start3A_26] : memref<10240x128xf32, #tpu.memory_space<hbm>> -> memref<10240x128xf32, #tpu.memory_space<hbm>>
      tpu.enqueue_indirect_dma source(%dma_start3A_27 : memref<10240x128xf32, #tpu.memory_space<hbm>>) target(%arg9 : memref<128x128xf32, #tpu.memory_space<vmem>>) offsets(%arg7 : memref<128xi32, #tpu.memory_space<vmem>>) semaphore(%arg11 : memref<!tpu.dma_semaphore, #tpu.memory_space<semaphore_mem>>)
      %dma_wait3A = arith.constant 0 : i32
      %dma_wait3A_28 = arith.constant 0 : i32
      %dma_wait3A_29 = tpu.memref_slice %arg2[%dma_wait3A, %dma_wait3A_28] : memref<10240x128xf32, #tpu.memory_space<hbm>> -> memref<10240x128xf32, #tpu.memory_space<hbm>>
      tpu.wait_indirect_dma semaphore(%arg11 : memref<!tpu.dma_semaphore, #tpu.memory_space<semaphore_mem>>) src(%dma_wait3A_29 : memref<10240x128xf32, #tpu.memory_space<hbm>>) dst(%arg9 : memref<128x128xf32, #tpu.memory_space<vmem>>)
      "tpu.region"() ({
        %run_scoped3A = tpu.sem_alloc : memref<!tpu.dma_semaphore, #tpu.memory_space<semaphore_mem>>
        %dma_start3A_30 = arith.constant 0 : i32
        %dma_start3A_31 = arith.constant 0 : i32
        %dma_start3A_32 = tpu.memref_slice %arg10[%dma_start3A_30, %dma_start3A_31] : memref<10240x128xf32, #tpu.memory_space<vmem_shared>> -> memref<10240x128xf32, #tpu.memory_space<vmem_shared>>
        tpu.enqueue_indirect_dma source(%arg9 : memref<128x128xf32, #tpu.memory_space<vmem>>) target(%dma_start3A_32 : memref<10240x128xf32, #tpu.memory_space<vmem_shared>>) offsets(%arg8 : memref<128xi32, #tpu.memory_space<vmem>>) semaphore(%run_scoped3A : memref<!tpu.dma_semaphore, #tpu.memory_space<semaphore_mem>>) {add = true}
        %dma_wait3A_33 = arith.constant 0 : i32
        %dma_wait3A_34 = arith.constant 0 : i32
        %dma_wait3A_35 = tpu.memref_slice %arg10[%dma_wait3A_33, %dma_wait3A_34] : memref<10240x128xf32, #tpu.memory_space<vmem_shared>> -> memref<10240x128xf32, #tpu.memory_space<vmem_shared>>
        tpu.wait_indirect_dma semaphore(%run_scoped3A : memref<!tpu.dma_semaphore, #tpu.memory_space<semaphore_mem>>) src(%arg9 : memref<128x128xf32, #tpu.memory_space<vmem>>) dst(%dma_wait3A_35 : memref<10240x128xf32, #tpu.memory_space<vmem_shared>>)
        tpu.yield
      }) : () -> ()
    }
    %scan3A_12 = arith.constant 80 : i32
    %barrier3A_13 = arith.constant 0 : index
    tpu.barrier barrier_id(%barrier3A_13)
    %mul3A_14 = arith.constant 640 : i32
    %mul3A_15 = arith.muli %arg1, %mul3A_14 : i32
    %mul3A_16 = arith.constant 640 : i32
    %mul3A_17 = arith.muli %arg1, %mul3A_16 : i32
    "tpu.region"() ({
      %run_scoped3A = tpu.sem_alloc : memref<!tpu.dma_semaphore, #tpu.memory_space<semaphore_mem>>
      %dma_start3A = arith.constant 0 : i32
      %dma_start3A_18 = arith.constant 0 : i32
      %dma_start3A_19 = tpu.memref_slice %arg6[%arg0, %dma_start3A, %dma_start3A_18] : memref<2x10240x128xf32, #tpu.memory_space<hbm>> -> memref<1x10240x128xf32, #tpu.memory_space<hbm>>
      %dma_start3A_20 = tpu.memref_squeeze %dma_start3A_19 : memref<1x10240x128xf32, #tpu.memory_space<hbm>> -> memref<10240x128xf32, #tpu.memory_space<hbm>>
      %dma_start3A_21 = arith.constant 0 : i32
      %dma_start3A_22 = tpu.memref_slice %dma_start3A_20[%mul3A_17, %dma_start3A_21] : memref<10240x128xf32, #tpu.memory_space<hbm>> -> memref<640x128xf32, #tpu.memory_space<hbm>>
      %dma_start3A_23 = arith.constant 0 : i32
      %dma_start3A_24 = tpu.memref_slice %arg10[%mul3A_15, %dma_start3A_23] : memref<10240x128xf32, #tpu.memory_space<vmem_shared>> -> memref<640x128xf32, #tpu.memory_space<vmem_shared>>
      tpu.enqueue_dma source(%dma_start3A_24 : memref<640x128xf32, #tpu.memory_space<vmem_shared>>) target(%dma_start3A_22 : memref<640x128xf32, #tpu.memory_space<hbm>>) target_semaphore(%run_scoped3A : memref<!tpu.dma_semaphore, #tpu.memory_space<semaphore_mem>>)
      %dma_wait3A = arith.constant 0 : i32
      %dma_wait3A_25 = arith.constant 0 : i32
      %dma_wait3A_26 = tpu.memref_slice %arg6[%arg0, %dma_wait3A, %dma_wait3A_25] : memref<2x10240x128xf32, #tpu.memory_space<hbm>> -> memref<1x10240x128xf32, #tpu.memory_space<hbm>>
      %dma_wait3A_27 = tpu.memref_squeeze %dma_wait3A_26 : memref<1x10240x128xf32, #tpu.memory_space<hbm>> -> memref<10240x128xf32, #tpu.memory_space<hbm>>
      %dma_wait3A_28 = arith.constant 0 : i32
      %dma_wait3A_29 = tpu.memref_slice %dma_wait3A_27[%mul3A_17, %dma_wait3A_28] : memref<10240x128xf32, #tpu.memory_space<hbm>> -> memref<640x128xf32, #tpu.memory_space<hbm>>
      %dma_wait3A_30 = arith.constant 0 : i32
      %dma_wait3A_31 = tpu.memref_slice %arg10[%mul3A_15, %dma_wait3A_30] : memref<10240x128xf32, #tpu.memory_space<vmem_shared>> -> memref<640x128xf32, #tpu.memory_space<vmem_shared>>
      tpu.wait_dma2 semaphore(%run_scoped3A : memref<!tpu.dma_semaphore, #tpu.memory_space<semaphore_mem>>) src(%dma_wait3A_31 : memref<640x128xf32, #tpu.memory_space<vmem_shared>>) dst(%dma_wait3A_29 : memref<640x128xf32, #tpu.memory_space<hbm>>)
      tpu.yield
    }) : () -> ()
    return
  }
}

module attributes {stable_mosaic.version = 14 : i64} {
  func.func @_prescale_body(%arg0: i32, %arg1: memref<512x128xf32, #tpu.memory_space<vmem>>, %arg2: memref<128x128xf32, #tpu.memory_space<vmem>>, %arg3: memref<1x128xf32, #tpu.memory_space<vmem>>, %arg4: memref<128x128xf32, #tpu.memory_space<vmem>>, %arg5: memref<2x512x128xf32, #tpu.memory_space<vmem>>, %arg6: memref<512x128xf32, #tpu.memory_space<vmem>>, %arg7: memref<512x1xf32, #tpu.memory_space<vmem>>) attributes {dimension_semantics = [#tpu.dimension_semantics<arbitrary>], iteration_bounds = array<i64: 20>, scalar_prefetch = 0 : i64, scratch_operands = 0 : i64, tpu.core_type = #tpu.core_type<tc>, window_params = [{transform_indices = @transform_0, window_bounds = array<i64: 512, 128>}, {pipeline_mode = #tpu.pipeline_mode<synchronous>, transform_indices = @transform_1, window_bounds = array<i64: 128, 128>}, {pipeline_mode = #tpu.pipeline_mode<synchronous>, transform_indices = @transform_2, window_bounds = array<i64: 1, 128>}, {pipeline_mode = #tpu.pipeline_mode<synchronous>, transform_indices = @transform_3, window_bounds = array<i64: 128, 128>}, {transform_indices = @transform_4, window_bounds = array<i64: 2, 512, 128>}, {transform_indices = @transform_5, window_bounds = array<i64: 512, 128>}, {transform_indices = @transform_6, window_bounds = array<i64: 512, 1>}]} {
    %get3A = arith.constant 0 : index
    %get3A_0 = arith.constant 0 : index
    %get3A_1 = arith.constant 0 : index
    %get3A_2 = vector.load %arg5[%get3A, %get3A_0, %get3A_1] : memref<2x512x128xf32, #tpu.memory_space<vmem>>, vector<1x512x1xf32>
    %get3A_3 = vector.shape_cast %get3A_2 : vector<1x512x1xf32> to vector<512x1xf32>
    %get3A_4 = arith.constant 1 : index
    %get3A_5 = arith.constant 0 : index
    %get3A_6 = arith.constant 0 : index
    %get3A_7 = vector.load %arg5[%get3A_4, %get3A_5, %get3A_6] : memref<2x512x128xf32, #tpu.memory_space<vmem>>, vector<1x512x1xf32>
    %get3A_8 = vector.shape_cast %get3A_7 : vector<1x512x1xf32> to vector<512x1xf32>
    %add3A = arith.addf %get3A_3, %get3A_8 : vector<512x1xf32>
    %add3A_9 = arith.constant 1.000000e+00 : f32
    %add3A_10 = vector.broadcast %add3A_9 : f32 to vector<512x1xf32>
    %add3A_11 = arith.addf %add3A, %add3A_10 : vector<512x1xf32>
    %sqrt3A = math.sqrt %add3A_11 : vector<512x1xf32>
    %div3A = arith.constant 1.000000e+00 : f32
    %div3A_12 = vector.broadcast %div3A : f32 to vector<512x1xf32>
    %div3A_13 = arith.divf %div3A_12, %sqrt3A : vector<512x1xf32>
    %get3A_14 = arith.constant 0 : index
    %get3A_15 = arith.constant 0 : index
    %get3A_16 = vector.load %arg1[%get3A_14, %get3A_15] : memref<512x128xf32, #tpu.memory_space<vmem>>, vector<512x128xf32>
    %get3A_17 = arith.constant 0 : index
    %get3A_18 = arith.constant 0 : index
    %get3A_19 = vector.load %arg2[%get3A_17, %get3A_18] : memref<128x128xf32, #tpu.memory_space<vmem>>, vector<128x128xf32>
    %dot_general3A = arith.constant dense<0.000000e+00> : vector<512x128xf32>
    %dot_general3A_20 = tpu.matmul %get3A_16, %get3A_19, %dot_general3A {dimension_numbers = #tpu.dot_dimension_numbers<[1], [0], [0], [1], [0, 0, 1, 1], [], []>, transpose_lhs_hint = false} : vector<512x128xf32>, vector<128x128xf32>, vector<512x128xf32> -> vector<512x128xf32>
    %get3A_21 = arith.constant 0 : index
    %get3A_22 = arith.constant 0 : index
    %get3A_23 = vector.load %arg3[%get3A_21, %get3A_22] : memref<1x128xf32, #tpu.memory_space<vmem>>, vector<1x128xf32>
    %add3A_24 = vector.broadcast %get3A_23 : vector<1x128xf32> to vector<512x128xf32>
    %add3A_25 = arith.addf %dot_general3A_20, %add3A_24 : vector<512x128xf32>
    %get3A_26 = arith.constant 0 : index
    %get3A_27 = arith.constant 0 : index
    %get3A_28 = vector.load %arg4[%get3A_26, %get3A_27] : memref<128x128xf32, #tpu.memory_space<vmem>>, vector<128x128xf32>
    %dot_general3A_29 = arith.constant dense<0.000000e+00> : vector<512x128xf32>
    %dot_general3A_30 = tpu.matmul %add3A_25, %get3A_28, %dot_general3A_29 {dimension_numbers = #tpu.dot_dimension_numbers<[1], [0], [0], [1], [0, 0, 1, 1], [], []>, transpose_lhs_hint = false} : vector<512x128xf32>, vector<128x128xf32>, vector<512x128xf32> -> vector<512x128xf32>
    %mul3A = vector.broadcast %div3A_13 : vector<512x1xf32> to vector<512x128xf32>
    %mul3A_31 = arith.mulf %dot_general3A_30, %mul3A : vector<512x128xf32>
    %swap3A = arith.constant 0 : index
    %swap3A_32 = arith.constant 0 : index
    %swap3A_33 = vector.load %arg6[%swap3A, %swap3A_32] : memref<512x128xf32, #tpu.memory_space<vmem>>, vector<512x128xf32>
    tpu.vector_store %arg6[%swap3A, %swap3A_32], %mul3A_31 {strides = array<i32>} : memref<512x128xf32, #tpu.memory_space<vmem>>, vector<512x128xf32>,
    %swap3A_34 = arith.constant 0 : index
    %swap3A_35 = arith.constant 0 : index
    %swap3A_36 = vector.load %arg7[%swap3A_34, %swap3A_35] : memref<512x1xf32, #tpu.memory_space<vmem>>, vector<512x1xf32>
    tpu.vector_store %arg7[%swap3A_34, %swap3A_35], %div3A_13 {strides = array<i32>} : memref<512x1xf32, #tpu.memory_space<vmem>>, vector<512x1xf32>,
    return
  }
  func.func @transform_0(%arg0: i32) -> (i32, i32) {
    %c0_i32 = arith.constant 0 : i32
    %c0_i32_0 = arith.constant 0 : i32
    return %arg0, %c0_i32 : i32, i32
  }
  func.func @transform_1(%arg0: i32) -> (i32, i32) {
    %c0_i32 = arith.constant 0 : i32
    %c0_i32_0 = arith.constant 0 : i32
    %c0_i32_1 = arith.constant 0 : i32
    return %c0_i32, %c0_i32_0 : i32, i32
  }
  func.func @transform_2(%arg0: i32) -> (i32, i32) {
    %c0_i32 = arith.constant 0 : i32
    %c0_i32_0 = arith.constant 0 : i32
    %c0_i32_1 = arith.constant 0 : i32
    return %c0_i32, %c0_i32_0 : i32, i32
  }
  func.func @transform_3(%arg0: i32) -> (i32, i32) {
    %c0_i32 = arith.constant 0 : i32
    %c0_i32_0 = arith.constant 0 : i32
    %c0_i32_1 = arith.constant 0 : i32
    return %c0_i32, %c0_i32_0 : i32, i32
  }
  func.func @transform_4(%arg0: i32) -> (i32, i32, i32) {
    %c0_i32 = arith.constant 0 : i32
    %c0_i32_0 = arith.constant 0 : i32
    %c0_i32_1 = arith.constant 0 : i32
    return %c0_i32, %arg0, %c0_i32_0 : i32, i32, i32
  }
  func.func @transform_5(%arg0: i32) -> (i32, i32) {
    %c0_i32 = arith.constant 0 : i32
    %c0_i32_0 = arith.constant 0 : i32
    return %arg0, %c0_i32 : i32, i32
  }
  func.func @transform_6(%arg0: i32) -> (i32, i32) {
    %c0_i32 = arith.constant 0 : i32
    %c0_i32_0 = arith.constant 0 : i32
    return %arg0, %c0_i32 : i32, i32
  }
}

module attributes {stable_mosaic.version = 14 : i64} {
  func.func @_conv_next_body(%arg0: i32, %arg1: memref<2x512x128xf32, #tpu.memory_space<vmem>>, %arg2: memref<512x128xf32, #tpu.memory_space<vmem>>, %arg3: memref<512x1xf32, #tpu.memory_space<vmem>>, %arg4: memref<1x128xf32, #tpu.memory_space<vmem>>, %arg5: memref<128x128xf32, #tpu.memory_space<vmem>>, %arg6: memref<512x128xf32, #tpu.memory_space<vmem>>) attributes {dimension_semantics = [#tpu.dimension_semantics<arbitrary>], iteration_bounds = array<i64: 20>, scalar_prefetch = 0 : i64, scratch_operands = 0 : i64, tpu.core_type = #tpu.core_type<tc>, window_params = [{transform_indices = @transform_0, window_bounds = array<i64: 2, 512, 128>}, {transform_indices = @transform_1, window_bounds = array<i64: 512, 128>}, {transform_indices = @transform_2, window_bounds = array<i64: 512, 1>}, {pipeline_mode = #tpu.pipeline_mode<synchronous>, transform_indices = @transform_3, window_bounds = array<i64: 1, 128>}, {pipeline_mode = #tpu.pipeline_mode<synchronous>, transform_indices = @transform_4, window_bounds = array<i64: 128, 128>}, {transform_indices = @transform_5, window_bounds = array<i64: 512, 128>}]} {
    %get3A = arith.constant 0 : index
    %get3A_0 = arith.constant 0 : index
    %get3A_1 = vector.load %arg3[%get3A, %get3A_0] : memref<512x1xf32, #tpu.memory_space<vmem>>, vector<512x1xf32>
    %get3A_2 = arith.constant 0 : index
    %get3A_3 = arith.constant 0 : index
    %get3A_4 = arith.constant 0 : index
    %get3A_5 = vector.load %arg1[%get3A_2, %get3A_3, %get3A_4] : memref<2x512x128xf32, #tpu.memory_space<vmem>>, vector<1x512x128xf32>
    %get3A_6 = vector.shape_cast %get3A_5 : vector<1x512x128xf32> to vector<512x128xf32>
    %get3A_7 = arith.constant 1 : index
    %get3A_8 = arith.constant 0 : index
    %get3A_9 = arith.constant 0 : index
    %get3A_10 = vector.load %arg1[%get3A_7, %get3A_8, %get3A_9] : memref<2x512x128xf32, #tpu.memory_space<vmem>>, vector<1x512x128xf32>
    %get3A_11 = vector.shape_cast %get3A_10 : vector<1x512x128xf32> to vector<512x128xf32>
    %add3A = arith.addf %get3A_6, %get3A_11 : vector<512x128xf32>
    %get3A_12 = arith.constant 0 : index
    %get3A_13 = arith.constant 0 : index
    %get3A_14 = vector.load %arg2[%get3A_12, %get3A_13] : memref<512x128xf32, #tpu.memory_space<vmem>>, vector<512x128xf32>
    %add3A_15 = arith.addf %add3A, %get3A_14 : vector<512x128xf32>
    %mul3A = vector.broadcast %get3A_1 : vector<512x1xf32> to vector<512x128xf32>
    %mul3A_16 = arith.mulf %add3A_15, %mul3A : vector<512x128xf32>
    %get3A_17 = arith.constant 0 : index
    %get3A_18 = arith.constant 0 : index
    %get3A_19 = vector.load %arg4[%get3A_17, %get3A_18] : memref<1x128xf32, #tpu.memory_space<vmem>>, vector<1x128xf32>
    %add3A_20 = vector.broadcast %get3A_19 : vector<1x128xf32> to vector<512x128xf32>
    %add3A_21 = arith.addf %mul3A_16, %add3A_20 : vector<512x128xf32>
    %max3A = arith.constant 0.000000e+00 : f32
    %max3A_22 = vector.broadcast %max3A : f32 to vector<512x128xf32>
    %max3A_23 = arith.maximumf %add3A_21, %max3A_22 : vector<512x128xf32>
    %get3A_24 = arith.constant 0 : index
    %get3A_25 = arith.constant 0 : index
    %get3A_26 = vector.load %arg5[%get3A_24, %get3A_25] : memref<128x128xf32, #tpu.memory_space<vmem>>, vector<128x128xf32>
    %dot_general3A = arith.constant dense<0.000000e+00> : vector<512x128xf32>
    %dot_general3A_27 = tpu.matmul %max3A_23, %get3A_26, %dot_general3A {dimension_numbers = #tpu.dot_dimension_numbers<[1], [0], [0], [1], [0, 0, 1, 1], [], []>, transpose_lhs_hint = false} : vector<512x128xf32>, vector<128x128xf32>, vector<512x128xf32> -> vector<512x128xf32>
    %mul3A_28 = vector.broadcast %get3A_1 : vector<512x1xf32> to vector<512x128xf32>
    %mul3A_29 = arith.mulf %dot_general3A_27, %mul3A_28 : vector<512x128xf32>
    %swap3A = arith.constant 0 : index
    %swap3A_30 = arith.constant 0 : index
    %swap3A_31 = vector.load %arg6[%swap3A, %swap3A_30] : memref<512x128xf32, #tpu.memory_space<vmem>>, vector<512x128xf32>
    tpu.vector_store %arg6[%swap3A, %swap3A_30], %mul3A_29 {strides = array<i32>} : memref<512x128xf32, #tpu.memory_space<vmem>>, vector<512x128xf32>,
    return
  }
  func.func @transform_0(%arg0: i32) -> (i32, i32, i32) {
    %c0_i32 = arith.constant 0 : i32
    %c0_i32_0 = arith.constant 0 : i32
    %c0_i32_1 = arith.constant 0 : i32
    return %c0_i32, %arg0, %c0_i32_0 : i32, i32, i32
  }
  func.func @transform_1(%arg0: i32) -> (i32, i32) {
    %c0_i32 = arith.constant 0 : i32
    %c0_i32_0 = arith.constant 0 : i32
    return %arg0, %c0_i32 : i32, i32
  }
  func.func @transform_2(%arg0: i32) -> (i32, i32) {
    %c0_i32 = arith.constant 0 : i32
    %c0_i32_0 = arith.constant 0 : i32
    return %arg0, %c0_i32 : i32, i32
  }
  func.func @transform_3(%arg0: i32) -> (i32, i32) {
    %c0_i32 = arith.constant 0 : i32
    %c0_i32_0 = arith.constant 0 : i32
    %c0_i32_1 = arith.constant 0 : i32
    return %c0_i32, %c0_i32_0 : i32, i32
  }
  func.func @transform_4(%arg0: i32) -> (i32, i32) {
    %c0_i32 = arith.constant 0 : i32
    %c0_i32_0 = arith.constant 0 : i32
    %c0_i32_1 = arith.constant 0 : i32
    return %c0_i32, %c0_i32_0 : i32, i32
  }
  func.func @transform_5(%arg0: i32) -> (i32, i32) {
    %c0_i32 = arith.constant 0 : i32
    %c0_i32_0 = arith.constant 0 : i32
    return %arg0, %c0_i32 : i32, i32
  }
}

module attributes {stable_mosaic.version = 14 : i64} {
  func.func @_head_body(%arg0: i32, %arg1: memref<2x512x128xf32, #tpu.memory_space<vmem>>, %arg2: memref<512x128xf32, #tpu.memory_space<vmem>>, %arg3: memref<512x1xf32, #tpu.memory_space<vmem>>, %arg4: memref<1x128xf32, #tpu.memory_space<vmem>>, %arg5: memref<128x128xf32, #tpu.memory_space<vmem>>, %arg6: memref<1x128xf32, #tpu.memory_space<vmem>>, %arg7: memref<1x128xf32, #tpu.memory_space<vmem>>, %arg8: memref<1x128xf32, #tpu.memory_space<vmem>>, %arg9: memref<128x128xf32, #tpu.memory_space<vmem>>, %arg10: memref<1x128xf32, #tpu.memory_space<vmem>>, %arg11: memref<1x128xf32, #tpu.memory_space<vmem>>, %arg12: memref<1x128xf32, #tpu.memory_space<vmem>>, %arg13: memref<128x128xf32, #tpu.memory_space<vmem>>, %arg14: memref<1x128xf32, #tpu.memory_space<vmem>>, %arg15: memref<512x128xf32, #tpu.memory_space<vmem>>) attributes {dimension_semantics = [#tpu.dimension_semantics<arbitrary>], iteration_bounds = array<i64: 20>, scalar_prefetch = 0 : i64, scratch_operands = 0 : i64, tpu.core_type = #tpu.core_type<tc>, window_params = [{transform_indices = @transform_0, window_bounds = array<i64: 2, 512, 128>}, {transform_indices = @transform_1, window_bounds = array<i64: 512, 128>}, {transform_indices = @transform_2, window_bounds = array<i64: 512, 1>}, {pipeline_mode = #tpu.pipeline_mode<synchronous>, transform_indices = @transform_3, window_bounds = array<i64: 1, 128>}, {pipeline_mode = #tpu.pipeline_mode<synchronous>, transform_indices = @transform_4, window_bounds = array<i64: 128, 128>}, {pipeline_mode = #tpu.pipeline_mode<synchronous>, transform_indices = @transform_5, window_bounds = array<i64: 1, 128>}, {pipeline_mode = #tpu.pipeline_mode<synchronous>, transform_indices = @transform_6, window_bounds = array<i64: 1, 128>}, {pipeline_mode = #tpu.pipeline_mode<synchronous>, transform_indices = @transform_7, window_bounds = array<i64: 1, 128>}, {pipeline_mode = #tpu.pipeline_mode<synchronous>, transform_indices = @transform_8, window_bounds = array<i64: 128, 128>}, {pipeline_mode = #tpu.pipeline_mode<synchronous>, transform_indices = @transform_9, window_bounds = array<i64: 1, 128>}, {pipeline_mode = #tpu.pipeline_mode<synchronous>, transform_indices = @transform_10, window_bounds = array<i64: 1, 128>}, {pipeline_mode = #tpu.pipeline_mode<synchronous>, transform_indices = @transform_11, window_bounds = array<i64: 1, 128>}, {pipeline_mode = #tpu.pipeline_mode<synchronous>, transform_indices = @transform_12, window_bounds = array<i64: 128, 128>}, {pipeline_mode = #tpu.pipeline_mode<synchronous>, transform_indices = @transform_13, window_bounds = array<i64: 1, 128>}, {transform_indices = @transform_14, window_bounds = array<i64: 512, 128>}]} {
    %get3A = arith.constant 0 : index
    %get3A_0 = arith.constant 0 : index
    %get3A_1 = vector.load %arg3[%get3A, %get3A_0] : memref<512x1xf32, #tpu.memory_space<vmem>>, vector<512x1xf32>
    %get3A_2 = arith.constant 0 : index
    %get3A_3 = arith.constant 0 : index
    %get3A_4 = arith.constant 0 : index
    %get3A_5 = vector.load %arg1[%get3A_2, %get3A_3, %get3A_4] : memref<2x512x128xf32, #tpu.memory_space<vmem>>, vector<1x512x128xf32>
    %get3A_6 = vector.shape_cast %get3A_5 : vector<1x512x128xf32> to vector<512x128xf32>
    %get3A_7 = arith.constant 1 : index
    %get3A_8 = arith.constant 0 : index
    %get3A_9 = arith.constant 0 : index
    %get3A_10 = vector.load %arg1[%get3A_7, %get3A_8, %get3A_9] : memref<2x512x128xf32, #tpu.memory_space<vmem>>, vector<1x512x128xf32>
    %get3A_11 = vector.shape_cast %get3A_10 : vector<1x512x128xf32> to vector<512x128xf32>
    %add3A = arith.addf %get3A_6, %get3A_11 : vector<512x128xf32>
    %get3A_12 = arith.constant 0 : index
    %get3A_13 = arith.constant 0 : index
    %get3A_14 = vector.load %arg2[%get3A_12, %get3A_13] : memref<512x128xf32, #tpu.memory_space<vmem>>, vector<512x128xf32>
    %add3A_15 = arith.addf %add3A, %get3A_14 : vector<512x128xf32>
    %mul3A = vector.broadcast %get3A_1 : vector<512x1xf32> to vector<512x128xf32>
    %mul3A_16 = arith.mulf %add3A_15, %mul3A : vector<512x128xf32>
    %get3A_17 = arith.constant 0 : index
    %get3A_18 = arith.constant 0 : index
    %get3A_19 = vector.load %arg4[%get3A_17, %get3A_18] : memref<1x128xf32, #tpu.memory_space<vmem>>, vector<1x128xf32>
    %add3A_20 = vector.broadcast %get3A_19 : vector<1x128xf32> to vector<512x128xf32>
    %add3A_21 = arith.addf %mul3A_16, %add3A_20 : vector<512x128xf32>
    %max3A = arith.constant 0.000000e+00 : f32
    %max3A_22 = vector.broadcast %max3A : f32 to vector<512x128xf32>
    %max3A_23 = arith.maximumf %add3A_21, %max3A_22 : vector<512x128xf32>
    %get3A_24 = arith.constant 0 : index
    %get3A_25 = arith.constant 0 : index
    %get3A_26 = vector.load %arg5[%get3A_24, %get3A_25] : memref<128x128xf32, #tpu.memory_space<vmem>>, vector<128x128xf32>
    %dot_general3A = arith.constant dense<0.000000e+00> : vector<512x128xf32>
    %dot_general3A_27 = tpu.matmul %max3A_23, %get3A_26, %dot_general3A {dimension_numbers = #tpu.dot_dimension_numbers<[1], [0], [0], [1], [0, 0, 1, 1], [], []>, transpose_lhs_hint = false} : vector<512x128xf32>, vector<128x128xf32>, vector<512x128xf32> -> vector<512x128xf32>
    %get3A_28 = arith.constant 0 : index
    %get3A_29 = arith.constant 0 : index
    %get3A_30 = vector.load %arg6[%get3A_28, %get3A_29] : memref<1x128xf32, #tpu.memory_space<vmem>>, vector<1x128xf32>
    %add3A_31 = vector.broadcast %get3A_30 : vector<1x128xf32> to vector<512x128xf32>
    %add3A_32 = arith.addf %dot_general3A_27, %add3A_31 : vector<512x128xf32>
    %get3A_33 = arith.constant 0 : index
    %get3A_34 = arith.constant 0 : index
    %get3A_35 = vector.load %arg7[%get3A_33, %get3A_34] : memref<1x128xf32, #tpu.memory_space<vmem>>, vector<1x128xf32>
    %get3A_36 = arith.constant 0 : index
    %get3A_37 = arith.constant 0 : index
    %get3A_38 = vector.load %arg8[%get3A_36, %get3A_37] : memref<1x128xf32, #tpu.memory_space<vmem>>, vector<1x128xf32>
    %reduce_sum3A = arith.constant dense<0.000000e+00> : vector<512xf32>
    %reduce_sum3A_39 = vector.multi_reduction <add>, %add3A_32, %reduce_sum3A [1] : vector<512x128xf32> to vector<512xf32>
    %broadcast_in_dim3A = vector.shape_cast %reduce_sum3A_39 : vector<512xf32> to vector<512x1xf32>
    %div3A = arith.constant 1.280000e+02 : f32
    %div3A_40 = vector.broadcast %div3A : f32 to vector<512x1xf32>
    %div3A_41 = arith.divf %broadcast_in_dim3A, %div3A_40 : vector<512x1xf32>
    %sub3A = vector.broadcast %div3A_41 : vector<512x1xf32> to vector<512x128xf32>
    %sub3A_42 = arith.subf %add3A_32, %sub3A : vector<512x128xf32>
    %integer_pow3A = arith.mulf %sub3A_42, %sub3A_42 : vector<512x128xf32>
    %reduce_sum3A_43 = arith.constant dense<0.000000e+00> : vector<512xf32>
    %reduce_sum3A_44 = vector.multi_reduction <add>, %integer_pow3A, %reduce_sum3A_43 [1] : vector<512x128xf32> to vector<512xf32>
    %broadcast_in_dim3A_45 = vector.shape_cast %reduce_sum3A_44 : vector<512xf32> to vector<512x1xf32>
    %div3A_46 = arith.constant 1.280000e+02 : f32
    %div3A_47 = vector.broadcast %div3A_46 : f32 to vector<512x1xf32>
    %div3A_48 = arith.divf %broadcast_in_dim3A_45, %div3A_47 : vector<512x1xf32>
    %sub3A_49 = vector.broadcast %div3A_41 : vector<512x1xf32> to vector<512x128xf32>
    %sub3A_50 = arith.subf %add3A_32, %sub3A_49 : vector<512x128xf32>
    %add3A_51 = arith.constant 9.99999974E-6 : f32
    %add3A_52 = vector.broadcast %add3A_51 : f32 to vector<512x1xf32>
    %add3A_53 = arith.addf %div3A_48, %add3A_52 : vector<512x1xf32>
    %sqrt3A = math.sqrt %add3A_53 : vector<512x1xf32>
    %div3A_54 = vector.broadcast %sqrt3A : vector<512x1xf32> to vector<512x128xf32>
    %div3A_55 = arith.divf %sub3A_50, %div3A_54 : vector<512x128xf32>
    %mul3A_56 = vector.broadcast %get3A_35 : vector<1x128xf32> to vector<512x128xf32>
    %mul3A_57 = arith.mulf %div3A_55, %mul3A_56 : vector<512x128xf32>
    %add3A_58 = vector.broadcast %get3A_38 : vector<1x128xf32> to vector<512x128xf32>
    %add3A_59 = arith.addf %mul3A_57, %add3A_58 : vector<512x128xf32>
    %max3A_60 = arith.constant 0.000000e+00 : f32
    %max3A_61 = vector.broadcast %max3A_60 : f32 to vector<512x128xf32>
    %max3A_62 = arith.maximumf %add3A_59, %max3A_61 : vector<512x128xf32>
    %get3A_63 = arith.constant 0 : index
    %get3A_64 = arith.constant 0 : index
    %get3A_65 = vector.load %arg9[%get3A_63, %get3A_64] : memref<128x128xf32, #tpu.memory_space<vmem>>, vector<128x128xf32>
    %dot_general3A_66 = arith.constant dense<0.000000e+00> : vector<512x128xf32>
    %dot_general3A_67 = tpu.matmul %max3A_62, %get3A_65, %dot_general3A_66 {dimension_numbers = #tpu.dot_dimension_numbers<[1], [0], [0], [1], [0, 0, 1, 1], [], []>, transpose_lhs_hint = false} : vector<512x128xf32>, vector<128x128xf32>, vector<512x128xf32> -> vector<512x128xf32>
    %get3A_68 = arith.constant 0 : index
    %get3A_69 = arith.constant 0 : index
    %get3A_70 = vector.load %arg10[%get3A_68, %get3A_69] : memref<1x128xf32, #tpu.memory_space<vmem>>, vector<1x128xf32>
    %add3A_71 = vector.broadcast %get3A_70 : vector<1x128xf32> to vector<512x128xf32>
    %add3A_72 = arith.addf %dot_general3A_67, %add3A_71 : vector<512x128xf32>
    %get3A_73 = arith.constant 0 : index
    %get3A_74 = arith.constant 0 : index
    %get3A_75 = vector.load %arg11[%get3A_73, %get3A_74] : memref<1x128xf32, #tpu.memory_space<vmem>>, vector<1x128xf32>
    %get3A_76 = arith.constant 0 : index
    %get3A_77 = arith.constant 0 : index
    %get3A_78 = vector.load %arg12[%get3A_76, %get3A_77] : memref<1x128xf32, #tpu.memory_space<vmem>>, vector<1x128xf32>
    %reduce_sum3A_79 = arith.constant dense<0.000000e+00> : vector<512xf32>
    %reduce_sum3A_80 = vector.multi_reduction <add>, %add3A_72, %reduce_sum3A_79 [1] : vector<512x128xf32> to vector<512xf32>
    %broadcast_in_dim3A_81 = vector.shape_cast %reduce_sum3A_80 : vector<512xf32> to vector<512x1xf32>
    %div3A_82 = arith.constant 1.280000e+02 : f32
    %div3A_83 = vector.broadcast %div3A_82 : f32 to vector<512x1xf32>
    %div3A_84 = arith.divf %broadcast_in_dim3A_81, %div3A_83 : vector<512x1xf32>
    %sub3A_85 = vector.broadcast %div3A_84 : vector<512x1xf32> to vector<512x128xf32>
    %sub3A_86 = arith.subf %add3A_72, %sub3A_85 : vector<512x128xf32>
    %integer_pow3A_87 = arith.mulf %sub3A_86, %sub3A_86 : vector<512x128xf32>
    %reduce_sum3A_88 = arith.constant dense<0.000000e+00> : vector<512xf32>
    %reduce_sum3A_89 = vector.multi_reduction <add>, %integer_pow3A_87, %reduce_sum3A_88 [1] : vector<512x128xf32> to vector<512xf32>
    %broadcast_in_dim3A_90 = vector.shape_cast %reduce_sum3A_89 : vector<512xf32> to vector<512x1xf32>
    %div3A_91 = arith.constant 1.280000e+02 : f32
    %div3A_92 = vector.broadcast %div3A_91 : f32 to vector<512x1xf32>
    %div3A_93 = arith.divf %broadcast_in_dim3A_90, %div3A_92 : vector<512x1xf32>
    %sub3A_94 = vector.broadcast %div3A_84 : vector<512x1xf32> to vector<512x128xf32>
    %sub3A_95 = arith.subf %add3A_72, %sub3A_94 : vector<512x128xf32>
    %add3A_96 = arith.constant 9.99999974E-6 : f32
    %add3A_97 = vector.broadcast %add3A_96 : f32 to vector<512x1xf32>
    %add3A_98 = arith.addf %div3A_93, %add3A_97 : vector<512x1xf32>
    %sqrt3A_99 = math.sqrt %add3A_98 : vector<512x1xf32>
    %div3A_100 = vector.broadcast %sqrt3A_99 : vector<512x1xf32> to vector<512x128xf32>
    %div3A_101 = arith.divf %sub3A_95, %div3A_100 : vector<512x128xf32>
    %mul3A_102 = vector.broadcast %get3A_75 : vector<1x128xf32> to vector<512x128xf32>
    %mul3A_103 = arith.mulf %div3A_101, %mul3A_102 : vector<512x128xf32>
    %add3A_104 = vector.broadcast %get3A_78 : vector<1x128xf32> to vector<512x128xf32>
    %add3A_105 = arith.addf %mul3A_103, %add3A_104 : vector<512x128xf32>
    %max3A_106 = arith.constant 0.000000e+00 : f32
    %max3A_107 = vector.broadcast %max3A_106 : f32 to vector<512x128xf32>
    %max3A_108 = arith.maximumf %add3A_105, %max3A_107 : vector<512x128xf32>
    %get3A_109 = arith.constant 0 : index
    %get3A_110 = arith.constant 0 : index
    %get3A_111 = vector.load %arg13[%get3A_109, %get3A_110] : memref<128x128xf32, #tpu.memory_space<vmem>>, vector<128x128xf32>
    %dot_general3A_112 = arith.constant dense<0.000000e+00> : vector<512x128xf32>
    %dot_general3A_113 = tpu.matmul %max3A_108, %get3A_111, %dot_general3A_112 {dimension_numbers = #tpu.dot_dimension_numbers<[1], [0], [0], [1], [0, 0, 1, 1], [], []>, transpose_lhs_hint = false} : vector<512x128xf32>, vector<128x128xf32>, vector<512x128xf32> -> vector<512x128xf32>
    %get3A_114 = arith.constant 0 : index
    %get3A_115 = arith.constant 0 : index
    %get3A_116 = vector.load %arg14[%get3A_114, %get3A_115] : memref<1x128xf32, #tpu.memory_space<vmem>>, vector<1x128xf32>
    %add3A_117 = vector.broadcast %get3A_116 : vector<1x128xf32> to vector<512x128xf32>
    %add3A_118 = arith.addf %dot_general3A_113, %add3A_117 : vector<512x128xf32>
    %swap3A = arith.constant 0 : index
    %swap3A_119 = arith.constant 0 : index
    %swap3A_120 = vector.load %arg15[%swap3A, %swap3A_119] : memref<512x128xf32, #tpu.memory_space<vmem>>, vector<512x128xf32>
    tpu.vector_store %arg15[%swap3A, %swap3A_119], %add3A_118 {strides = array<i32>} : memref<512x128xf32, #tpu.memory_space<vmem>>, vector<512x128xf32>,
    return
  }
  func.func @transform_0(%arg0: i32) -> (i32, i32, i32) {
    %c0_i32 = arith.constant 0 : i32
    %c0_i32_0 = arith.constant 0 : i32
    %c0_i32_1 = arith.constant 0 : i32
    return %c0_i32, %arg0, %c0_i32_0 : i32, i32, i32
  }
  func.func @transform_1(%arg0: i32) -> (i32, i32) {
    %c0_i32 = arith.constant 0 : i32
    %c0_i32_0 = arith.constant 0 : i32
    return %arg0, %c0_i32 : i32, i32
  }
  func.func @transform_2(%arg0: i32) -> (i32, i32) {
    %c0_i32 = arith.constant 0 : i32
    %c0_i32_0 = arith.constant 0 : i32
    return %arg0, %c0_i32 : i32, i32
  }
  func.func @transform_3(%arg0: i32) -> (i32, i32) {
    %c0_i32 = arith.constant 0 : i32
    %c0_i32_0 = arith.constant 0 : i32
    %c0_i32_1 = arith.constant 0 : i32
    return %c0_i32, %c0_i32_0 : i32, i32
  }
  func.func @transform_4(%arg0: i32) -> (i32, i32) {
    %c0_i32 = arith.constant 0 : i32
    %c0_i32_0 = arith.constant 0 : i32
    %c0_i32_1 = arith.constant 0 : i32
    return %c0_i32, %c0_i32_0 : i32, i32
  }
  func.func @transform_5(%arg0: i32) -> (i32, i32) {
    %c0_i32 = arith.constant 0 : i32
    %c0_i32_0 = arith.constant 0 : i32
    %c0_i32_1 = arith.constant 0 : i32
    return %c0_i32, %c0_i32_0 : i32, i32
  }
  func.func @transform_6(%arg0: i32) -> (i32, i32) {
    %c0_i32 = arith.constant 0 : i32
    %c0_i32_0 = arith.constant 0 : i32
    %c0_i32_1 = arith.constant 0 : i32
    return %c0_i32, %c0_i32_0 : i32, i32
  }
  func.func @transform_7(%arg0: i32) -> (i32, i32) {
    %c0_i32 = arith.constant 0 : i32
    %c0_i32_0 = arith.constant 0 : i32
    %c0_i32_1 = arith.constant 0 : i32
    return %c0_i32, %c0_i32_0 : i32, i32
  }
  func.func @transform_8(%arg0: i32) -> (i32, i32) {
    %c0_i32 = arith.constant 0 : i32
    %c0_i32_0 = arith.constant 0 : i32
    %c0_i32_1 = arith.constant 0 : i32
    return %c0_i32, %c0_i32_0 : i32, i32
  }
  func.func @transform_9(%arg0: i32) -> (i32, i32) {
    %c0_i32 = arith.constant 0 : i32
    %c0_i32_0 = arith.constant 0 : i32
    %c0_i32_1 = arith.constant 0 : i32
    return %c0_i32, %c0_i32_0 : i32, i32
  }
  func.func @transform_10(%arg0: i32) -> (i32, i32) {
    %c0_i32 = arith.constant 0 : i32
    %c0_i32_0 = arith.constant 0 : i32
    %c0_i32_1 = arith.constant 0 : i32
    return %c0_i32, %c0_i32_0 : i32, i32
  }
  func.func @transform_11(%arg0: i32) -> (i32, i32) {
    %c0_i32 = arith.constant 0 : i32
    %c0_i32_0 = arith.constant 0 : i32
    %c0_i32_1 = arith.constant 0 : i32
    return %c0_i32, %c0_i32_0 : i32, i32
  }
  func.func @transform_12(%arg0: i32) -> (i32, i32) {
    %c0_i32 = arith.constant 0 : i32
    %c0_i32_0 = arith.constant 0 : i32
    %c0_i32_1 = arith.constant 0 : i32
    return %c0_i32, %c0_i32_0 : i32, i32
  }
  func.func @transform_13(%arg0: i32) -> (i32, i32) {
    %c0_i32 = arith.constant 0 : i32
    %c0_i32_0 = arith.constant 0 : i32
    %c0_i32_1 = arith.constant 0 : i32
    return %c0_i32, %c0_i32_0 : i32, i32
  }
  func.func @transform_14(%arg0: i32) -> (i32, i32) {
    %c0_i32 = arith.constant 0 : i32
    %c0_i32_0 = arith.constant 0 : i32
    return %arg0, %c0_i32 : i32, i32
  }
}

</mosaic_0001>

<sc_bundles>
// kernel: kernel.11.cloned.1.call-start
scs
__scs_entry_jumppad:
0x0: {  	(pc) =	sbr.rel $0x88, $3  }
0x1: {  	(tag) =	ssettag $0x0;
	lr =	simm.s32 $0x1  }
0x2: {  	[smem:$0x3F8F] =	sst lr;
	_ =	strace $0xD0000000  }
0x3: {  	_ = 	snop  }
0x4: {  	_ = 	snop  }
0x5: {  	_ = 	snop  }
0x6: {  	_ = 	snop  }
0x7: {  	_ = 	snop  }
__scs_overlays_trampoline_lowered:
0x8: {  	[smem:$0x3F9E] =	sst s0  }
0x9: {  	[smem:$0x3F9F] =	sst s1  }
0xa: {  	[smem:$0x3FA0] =	sst s2  }
0xb: {  	[smem:$0x3FA1] =	sst s3  }
0xc: {  	[smem:$0x3FA2] =	sst s4  }
0xd: {  	[smem:$0x3FA3] =	sst s5  }
0xe: {  	[smem:$0x3FA4] =	sst s6  }
0xf: {  	[smem:$0x3FA5] =	sst s7  }
0x10: {  	[smem:$0x3FA6] =	sst s8  }
0x11: {  	[smem:$0x3FA7] =	sst s9;
	s0 =	simm.s32 @!p0 $0x0  }
0x12: {  	s1 =	sld [smem:$0x3F8D];
	s0 =	simm.s32 @p0 $0x1  }
0x13: {  	[smem:$0x3FA8] =	sst s0;
	s0 =	simm.s32 @!p1 $0x0  }
0x14: {  	s2 =	sld [smem:$0x3F8C];
	s0 =	simm.s32 @p1 $0x1  }
0x15: {  	[smem:$0x3FA9] =	sst s0;
	s0 =	simm.s32 @!p2 $0x0  }
0x16: {  	s3 =	sld [smem:$0x3FDB];
	s0 =	simm.s32 @p2 $0x1  }
0x17: {  	s4 =	simm.s32 $0x1BF5;
	[smem:$0x3FAB] =	sst s0  }
0x18: {  	s0 =	sld [smem:$0x3F8E];
	_ =	swait.ge [sflag:s4], $0x0  }
0x19: {  	s7 =	sld [smem:$0x3F8F]  }
0x1a: {  	s8 =	sadd.s32 $0xFFFFE003, lr  }
0x1b: {  	s9 =	sadd.s32 $0xFFFFFEF7, lr;
	s5 =	simm.s32 $0xFFFFFFFF;
	p2 =	slt.u32 s8, $0xFFFFF086  }
0x1c: {  	p1 =	slt.u32 s9, $0xF7A;
	s5 =	simm.s32 @!p2 $0x0  }
0x1d: {  	s5 =	simm.s32 @p1 $0x1;
	p0 =	seq.s32 s7, s2  }
0x1e: {  	s7 =	smul.u32 @!p0 $0xF7A, s2;
	p2 =	seq.s32 @!p0 s5, $0x0  }
0x1f: {  	s9 =	smul.u32 $0xF7A, s1;
	s8 =	simm.s32 @!p0 $0x1BF5;
	p2 =	por !p2, p0  }
0x20: {  	[sflag:s8] =	ssyncset.s32 @!p0 $0xFFFFF086;
	s6 =	sadd.s32 @!p0 s3, s7;
	s7 =	simm.s32 @!p0 $0x108  }
0x21: {  	s3 =	sadd.s32 s3, s9;
	s6 =	sadd.s32 @!p0 $0x88, s6;
	s7 =	simm.s32 @p2 $0x1082  }
0x22: {  	[simem:s7], [sflag:s8] =	dma.local @!p0 [hbm:s6], $0xF7A  }
0x23: {  	s9 =	sor.u32 $0xD0000000, s2;
	s6 =	simm.s32 $0x108;
	_ =	swait.ge @!p0 [sflag:s8], $0x0  }
0x24: {  	s3 =	sadd.s32 $0x88, s3;
	s6 =	simm.s32 @!p1 $0x1082;
	[sflag:s4] =	ssyncset.s32 $0xFFFFF086  }
0x25: {  	[simem:s6], [sflag:s4] =	dma.local [hbm:s3], $0xF7A  }
0x26: {  	[smem:$0x3F8F] =	sst s1;
	(tag) =	ssettag s2;
	_ =	strace s9  }
0x27: {  	s1 =	sld [smem:$0x3F9F]  }
0x28: {  	s2 =	sld [smem:$0x3FA0]  }
0x29: {  	s4 =	sld [smem:$0x3FA2]  }
0x2a: {  	p0 =	seq.s32 s5, $0x0;
	s5 =	sld [smem:$0x3FA3]  }
0x2b: {  	s6 =	sld [smem:$0x3FA4]  }
0x2c: {  	s7 =	sld [smem:$0x3FA5]  }
0x2d: {  	s3 =	simm.s32 $0x108;
	s8 =	sld [smem:$0x3FA6]  }
0x2e: {  	s3 =	simm.s32 @!p0 $0x1082;
	s9 =	sld [smem:$0x3FA7]  }
0x2f: {  	lr =	sadd.s32 s0, s3;
	s0 =	sld [smem:$0x3F9E]  }
0x30: {  	s3 =	sld [smem:$0x3FA1]  }
0x31: {  	[smem:$0x3FAA] =	sst s10  }
0x32: {  	s10 =	sld [smem:$0x3FA8];
	_ =	sdelay $0x3  }
0x33: {  	p0 =	seq.s32 s10, $0x1;
	s10 =	sld [smem:$0x3FAA];
	_ =	sdelay $0x3  }
0x34: {  	[smem:$0x3FAA] =	sst s10  }
0x35: {  	s10 =	sld [smem:$0x3FA9];
	_ =	sdelay $0x3  }
0x36: {  	p1 =	seq.s32 s10, $0x1;
	s10 =	sld [smem:$0x3FAA];
	_ =	sdelay $0x3  }
0x37: {  	[smem:$0x3FAA] =	sst s10  }
0x38: {  	s10 =	sld [smem:$0x3FAB]  }
0x39: {  	_ = 	snop;
	(pc) =	sbr.ind lr, $3  }
0x3a: {  	_ = 	snop  }
0x3b: {  	_ = 	snop  }
0x3c: {  	p2 =	seq.s32 s10, $0x1;
	s10 =	sld [smem:$0x3FAA]  }
0x3d: {  	_ =	shalt  }
0x3e: {  	_ =	shalt  }
0x3f: {  	_ =	shalt  }
0x40: {  	_ =	shalt  }
0x41: {  	_ =	shalt  }
0x42: {  	_ =	shalt  }
0x43: {  	_ =	shalt  }
0x44: {  	_ =	shalt  }
0x45: {  	_ =	shalt  }
0x46: {  	_ =	shalt  }
0x47: {  	_ =	shalt  }
0x48: {  	_ =	shalt  }
0x49: {  	_ =	shalt  }
0x4a: {  	_ =	shalt  }
0x4b: {  	_ =	shalt  }
0x4c: {  	_ =	shalt  }
0x4d: {  	_ =	shalt  }
0x4e: {  	_ =	shalt  }
0x4f: {  	_ =	shalt  }
0x50: {  	_ =	shalt  }
0x51: {  	_ =	shalt  }
0x52: {  	_ =	shalt  }
0x53: {  	_ =	shalt  }
0x54: {  	_ =	shalt  }
0x55: {  	_ =	shalt  }
0x56: {  	_ =	shalt  }
0x57: {  	_ =	shalt  }
0x58: {  	_ =	shalt  }
0x59: {  	_ =	shalt  }
0x5a: {  	_ =	shalt  }
0x5b: {  	_ =	shalt  }
0x5c: {  	_ =	shalt  }
0x5d: {  	_ =	shalt  }
0x5e: {  	_ =	shalt  }
0x5f: {  	_ =	shalt  }
0x60: {  	_ =	shalt  }
0x61: {  	_ =	shalt  }
0x62: {  	_ =	shalt  }
0x63: {  	_ =	shalt  }
0x64: {  	_ =	shalt  }
0x65: {  	_ =	shalt  }
0x66: {  	_ =	shalt  }
0x67: {  	_ =	shalt  }
0x68: {  	_ =	shalt  }
0x69: {  	_ =	shalt  }
0x6a: {  	_ =	shalt  }
0x6b: {  	_ =	shalt  }
0x6c: {  	_ =	shalt  }
0x6d: {  	_ =	shalt  }
0x6e: {  	_ =	shalt  }
0x6f: {  	_ =	shalt  }
0x70: {  	_ =	shalt  }
0x71: {  	_ =	shalt  }
0x72: {  	_ =	shalt  }
0x73: {  	_ =	shalt  }
0x74: {  	_ =	shalt  }
0x75: {  	_ =	shalt  }
0x76: {  	_ =	shalt  }
0x77: {  	_ =	shalt  }
0x78: {  	_ =	shalt  }
0x79: {  	_ =	shalt  }
0x7a: {  	_ =	shalt  }
0x7b: {  	_ =	shalt  }
0x7c: {  	_ =	shalt  }
0x7d: {  	_ =	shalt  }
0x7e: {  	_ =	shalt  }
0x7f: {  	_ =	shalt  }
0x80: {  	_ =	shalt  }
0x81: {  	_ =	shalt  }
0x82: {  	_ =	shalt  }
0x83: {  	_ =	shalt  }
0x84: {  	_ =	shalt  }
0x85: {  	_ =	shalt  }
0x86: {  	_ =	shalt  }
0x87: {  	_ =	shalt  }
.Lfunc_end0:
.L_simem_size_0:
called_computation.1_lowered:
.L_overlay_start_0:
0x88: {  	s2 =	sld [smem:$0x3FD9]  }
0x89: {  	s3 =	sld [smem:$0x3FFE];
	_ =	sdelay $0x1  }
0x8a: {  	s1 =	srdreg.scid  }
0x8b: {  	s0 =	sand.u32 $0x1, s1  }
0x8c: {  	s16 =	sshll.u32 s0, $0xA;
	s2 =	sadd.s32 s3, s2  }
0x8d: {  	s2 =	sadd.s32 s2, s16  }
0x8e: {  	[smem:$0x3FB6] =	sst s2  }
0x8f: {  	_ = 	snop  }
0x90: {  	(tm) =	ssettm $0x1  }
0x91: {  	s17 =	sld [smem:$0x3FFB];
	_ =	sdelay $0x3  }
0x92: {  	_ =	strace s17  }
0x93: {  	s2 =	sld [smem:$0x3FFC];
	_ =	sdelay $0x3  }
0x94: {  	_ =	strace s2  }
0x95: {  	s2 =	sld [smem:$0x3FFD];
	_ =	sdelay $0x3  }
0x96: {  	_ =	strace s2  }
0x97: {  	_ =	strace $0x8FFFFFFF  }
0x98: {  	s18 =	sld [smem:$0x3FDB];
	_ =	sdelay $0x1  }
0x99: {  	s19 =	simm.s32 $_scs_section_size  }
0x9a: {  	s4 =	simm.s32 $_size__tile_overlayer_lowered;
	s5 =	simm.s32 $_tile_overlayer_lowered  }
0x9b: {  	s22 =	simm.s32 $0x1BFF;
	s21 =	sshll.u32 s5, $0x1;
	s2 =	sadd.s32 s19, s18  }
0x9c: {  	s6 =	simm.s32 $0x0;
	s20 =	sshll.u32 s4, $0x1;
	s4 =	sadd.s32 s21, s2  }
0x9d: {  	[timem:s6], [sflag:s22] =	dma.local [hbm:s4], s20  }
0x9e: {  	_ =	swait.ge [sflag:s22], s20  }
0x9f: {  	s3 =	ssub.s32 $0x0, s20;
	[sflag:s22] =	ssyncset.done $0x0  }
0xa0: {  	[sflag:s22] =	ssyncadd.s32 s3;
	_ =	sdelay $0x1  }
0xa1: {  	s23 =	simm.s32 $0x1B8B  }
0xa2: {  	_ =	swait.ge [sflag:s23], $0x1  }
0xa3: {  	[sflag:s23] =	ssyncset.done $0x0  }
0xa4: {  	s25 =	simm.s32 $0x1B8E;
	s24 =	sld [smem:$0x3FFE];
	[sflag:s23] =	ssyncadd.s32 $0xFFFFFFFF  }
0xa5: {  	s26 =	simm.s32 $execute0_lowered;
	[smem:$0x3FD2] =	sst s25  }
0xa6: {  	s4 =	sshll.u32 s26, $0x1;
	_ =	strace $0x80000049;
	[dreg:$0x1] =	wrdreg $0xFFFFFFFF  }
0xa7: {  	s28 =	simm.s32 $_size_execute0_lowered;
	s2 =	sadd.s32 s2, s4;
	[dreg:$0x0] =	wrdreg $0x0  }
0xa8: {  	s4 =	sshll.u32 s28, $0x1;
	[dreg:$0x2] =	wrdreg s2  }
0xa9: {  	[dreg:$0x3] =	wrdreg s4  }
0xaa: {  	[dreg:$0x4] =	wrdreg $0xC0  }
0xab: {  	_ =	task [dreg:s6], $0x5FFFF  }
0xac: {  	[dreg:$0x1] =	wrdreg $0xFFFFFFFF  }
0xad: {  	[dreg:$0x0] =	wrdreg $0x60  }
0xae: {  	[dreg:$0x2] =	wrdreg s24  }
0xaf: {  	[dreg:$0x3] =	wrdreg $0x41000  }
0xb0: {  	[dreg:$0x4] =	wrdreg $0x9  }
0xb1: {  	_ =	task.clear_ibuf [dreg:s6], $0x5FFFF;
	_ =	strace $0x90000049  }
0xb2: {  	s29 =	simm.s32 $0x9;
	_ =	strace $0x8000004B  }
0xb3: {  	_ =	swait.ge [sflag:s29], $0x1  }
0xb4: {  	[sflag:s29] =	ssyncadd.s32 $0xFFFFFFFF  }
0xb5: {  	_ =	strace $0x9000004B  }
0xb6: {  	_ =	sfence  }
0xb7: {  	s30 =	sld [smem:$0x0];
	_ =	sdelay $0x2  }
0xb8: {  	s31 =	sshll.u32 s1, $0xD;
	s1 =	sshrl.u32 s1, $0x2  }
0xb9: {  	s3 =	sand.u32 $0x4000, s31;
	s1 =	sadd.s32 s1, s30  }
0xba: {  	s0 =	sor.u32 s3, s0;
	s1 =	sshll.u32 s1, $0x11  }
0xbb: {  	s0 =	sor.u32 s1, s0  }
0xbc: {  	s0 =	sadd.s32 $0x8F2B, s0  }
0xbd: {  	[sflag:s0] =	ssyncadd.remote.s32 $0x1  }
0xbe: {  	_ =	sfence.sel $0xFFFF  }
0xbf: {  	[dreg:$0x0] =	wrdreg $0xFFFFFFFF;
	(pc) =	sbr.abs _section_cstart, $3  }
0xc0: {  	[dreg:$0x1] =	wrdreg $0xFFFFFFFF  }
0xc1: {  	_ =	task.clear_ibuf [dreg:s6], $0x2FFFF;
	_ =	strace $0x9FFFFFFF  }
0xc2: {  	(tm) =	ssettm $0x7FFFFFFF  }
0xc3: {  	_ =	shalt  }
tec
execute0_lowered:
.L_overlay_start_1:
0x0: {  	(tag) =	ssettag $0x1  }
0x1: {  	s5 =	rddreg [dreg:$0x0]  }
0x2: {  	s2 =	rddreg [dreg:$0x1]  }
0x3: {  	s0 =	rddreg [dreg:$0x2];
	s3 =	simm.s32 $0x0;
	s1 =	stileid.u32  }
0x4: {  	s4 =	srdreg.scid;
	s14 =	simm.s32 $0x1;
	s6 =	smul.u32 $0xA20, s1  }
0x5: {  	[smem:$0x7FF] =	sst s3;
	s15 =	smul.u32 $0x2800, s1;
	s7 =	sand.u32 $0x1, s4  }
0x6: {  	s4 =	sadd.s32 $0x2C000, s5;
	s11 =	smul.u32 $0x50000, s1;
	s29 =	sshll.u32 s1, $0x6  }
0x7: {  	_ =	strace $0x8000004A;
	s8 =	smul.u32 $0x28000, s7;
	s9 =	ssub.s32 $0x2, s7  }
0x8: {  	s30 =	smul.u32 $0x510, s7;
	s10 =	sadd.s32 s6, s5;
	s26 =	sshrl.u32 s9, $0x1  }
0x9: {  	s12 =	sadd.s32 s15, s5;
	s28 =	sshrl.u32 s11, $0x2;
	s6 =	sor.u32 $0x1C02, s29  }
0xa: {  	s11 =	simm.s32 $0x2;
	s8 =	sadd.s32 s8, s5;
	s9 =	ssub.s32 s9, s26  }
0xb: {  	s13 =	sadd.s32 s28, s2;
	s5 =	sadd.s32 $0x4000, s12;
	s31 =	sadd.s32 s30, s10  }
0xc: {  	s12 =	simm.s32 $0x80;
	s16 =	sadd.s32 $0x90C00, s8;
	s7 =	smax.u32 s9, $0x1  }
0xd: {  	s8 =	sadd.s32 $0x86A00, s31;
	s9 =	sadd.s32 $0x7C800, s31;
	s10 =	sshrl.u32 s13, $0x3  }
0xe: {  	s13 =	simm.s32 $0x100;
	s15 =	sadd.s32 s15, s16;
	s16 =	simm.s32 $0x0  }
.LBB2_1:
0xf: {  	[spmem:s10], [sflag:s6] =	dma.local [hbm:s5], $0x2800  }
0x10: {  	_ =	swait.ge [sflag:s11], $0x2800  }
0x11: {  	[sflag:s11] =	ssyncset.done $0x0  }
0x12: {  	[sflag:s11] =	ssyncadd.s32 $0xFFFFD800  }
0x13: {  	s17 =	sadd.s32 $0x0, s9;
	[bflag:$0x0] =	sbarrier.arrive $0xFFFF  }
0x14: {  	[tilespmem:s3], [sflag:$0x2] =	stream.linear.gather [hbm4b:s17+s3], $0x80, $0x38;
	[tilespmem:$0x18100] =	vst v63  }
0x15: {  	_ =	swait.ge [sflag:s11], $0x80  }
0x16: {  	[sflag:s11] =	ssyncset.done $0x0  }
0x17: {  	s31 =	sadd.s32 $0x0, s8;
	[sflag:s11] =	ssyncadd.s32 $0xFFFFFF80  }
0x18: {  	[tilespmem:s12], [sflag:$0x2] =	stream.linear.gather [hbm4b:s31+s3], $0x80, $0x38;
	[tilespmem:$0x18100] =	vst v63  }
0x19: {  	_ =	swait.ge [sflag:s11], $0x80  }
0x1a: {  	[sflag:s11] =	ssyncset.done $0x0  }
0x1b: {  	[sflag:s11] =	ssyncadd.s32 $0xFFFFFF80  }
0x1c: {  	[tilespmem:s13], [sflag:$0x1] =	stream.indirect.gather [hbm4b:s4+s12], $0x80, s3, s12, $0xb8;
	[tilespmem:$0x18100] =	vst v63  }
0x1d: {  	_ =	swait.ge [sflag:s14], $0x4000  }
0x1e: {  	[sflag:s14] =	ssyncset.done $0x0  }
0x1f: {  	[sflag:s14] =	ssyncadd.s32 $0xFFFFC000  }
0x20: {  	[spmem:s2] =	stream.indirect.scatter.add.f32 [tilespmem:s13], [sflag:$0x2], $0x80, s12, s12, $0xb8;
	[tilespmem:$0x18100] =	vst v63  }
0x21: {  	_ =	swait.ge [sflag:s11], $0x4000  }
0x22: {  	s18 =	simm.s32 $0x20;
	s17 =	simm.s32 $0x10;
	[sflag:s11] =	ssyncset.done $0x0  }
.LBB2_2:
0x23: {  	s19 =	sadd.s32 s17, s9  }
0x24: {  	[sflag:s11] =	ssyncadd.s32 $0xFFFFC000;
	s20 =	smov.u32 s18;
	s21 =	sadd.s32 $0x10, s18  }
0x25: {  	[tilespmem:s3], [sflag:$0x2] =	stream.linear.gather [hbm4b:s19+s3], $0x80, $0x38;
	[tilespmem:$0x18100] =	vst v63  }
0x26: {  	p0 =	sne.s32 s18, $0x4F0;
	_ =	swait.ge [sflag:s11], $0x80  }
0x27: {  	[sflag:s11] =	ssyncset.done $0x0  }
0x28: {  	s18 =	sadd.s32 s17, s8;
	s17 =	smov.u32 s20;
	[sflag:s11] =	ssyncadd.s32 $0xFFFFFF80  }
0x29: {  	[tilespmem:s12], [sflag:$0x2] =	stream.linear.gather [hbm4b:s18+s3], $0x80, $0x38;
	[tilespmem:$0x18100] =	vst v63  }
0x2a: {  	_ =	swait.ge [sflag:s11], $0x80  }
0x2b: {  	[sflag:s11] =	ssyncset.done $0x0  }
0x2c: {  	[sflag:s11] =	ssyncadd.s32 $0xFFFFFF80  }
0x2d: {  	[tilespmem:s13], [sflag:$0x1] =	stream.indirect.gather [hbm4b:s4+s12], $0x80, s3, s12, $0xb8;
	[tilespmem:$0x18100] =	vst v63  }
0x2e: {  	_ =	swait.ge [sflag:s14], $0x4000  }
.Ltmp0:
0x2f: {  	[sflag:s14] =	ssyncset.done $0x0;
	(pc) =	sbr.rel @p0 .LBB2_2-.Ltmp0, $4  }
0x30: {  	[sflag:s14] =	ssyncadd.s32 $0xFFFFC000  }
0x31: {  	[spmem:s2] =	stream.indirect.scatter.add.f32 [tilespmem:s13], [sflag:$0x2], $0x80, s12, s12, $0xb8;
	[tilespmem:$0x18100] =	vst v63  }
0x32: {  	_ =	swait.ge [sflag:s11], $0x4000  }
0x33: {  	s18 =	smov.u32 s21;
	[sflag:s11] =	ssyncset.done $0x0  }
0x34: {  	s18 =	sadd.s32 s17, s9;
	[sflag:s11] =	ssyncadd.s32 $0xFFFFC000  }
0x35: {  	[tilespmem:s3], [sflag:$0x2] =	stream.linear.gather [hbm4b:s18+s3], $0x80, $0x38;
	[tilespmem:$0x18100] =	vst v63  }
0x36: {  	_ =	swait.ge [sflag:s11], $0x80  }
0x37: {  	[sflag:s11] =	ssyncset.done $0x0  }
0x38: {  	s31 =	sadd.s32 s17, s8;
	[sflag:s11] =	ssyncadd.s32 $0xFFFFFF80  }
0x39: {  	[tilespmem:s12], [sflag:$0x2] =	stream.linear.gather [hbm4b:s31+s3], $0x80, $0x38;
	[tilespmem:$0x18100] =	vst v63  }
0x3a: {  	_ =	swait.ge [sflag:s11], $0x80  }
0x3b: {  	[sflag:s11] =	ssyncset.done $0x0  }
0x3c: {  	[sflag:s11] =	ssyncadd.s32 $0xFFFFFF80  }
0x3d: {  	[tilespmem:s13], [sflag:$0x1] =	stream.indirect.gather [hbm4b:s4+s12], $0x80, s3, s12, $0xb8;
	[tilespmem:$0x18100] =	vst v63  }
0x3e: {  	_ =	swait.ge [sflag:s14], $0x4000  }
0x3f: {  	[sflag:s14] =	ssyncset.done $0x0  }
0x40: {  	[sflag:s14] =	ssyncadd.s32 $0xFFFFC000  }
0x41: {  	[spmem:s2] =	stream.indirect.scatter.add.f32 [tilespmem:s13], [sflag:$0x2], $0x80, s12, s12, $0xb8;
	[tilespmem:$0x18100] =	vst v63  }
0x42: {  	_ =	swait.ge [sflag:s11], $0x4000  }
0x43: {  	s16 =	sadd.s32 $0x1, s16;
	[sflag:s11] =	ssyncset.done $0x0  }
0x44: {  	p0 =	sne.s32 s16, s7;
	[sflag:s11] =	ssyncadd.s32 $0xFFFFC000  }
.Ltmp1:
0x45: {  	[bflag:$0x0] =	sbarrier.arrive $0xFFFF;
	(pc) =	sbr.rel @p0 .LBB2_1-.Ltmp1, $4  }
0x46: {  	[hbm:s15], [sflag:s6] =	dma.local [spmem:s10], $0x2800  }
0x47: {  	_ =	swait.ge [sflag:s11], $0x2800  }
0x48: {  	[sflag:s11] =	ssyncset.done $0x0  }
0x49: {  	[sflag:s11] =	ssyncadd.s32 $0xFFFFD800  }
0x4a: {  	_ =	sfence.sel $0x180000  }
0x4b: {  	[bflag:$0x0] =	sbarrier.arrive $0xFFFF  }
0x4c: {  	p0 =	sne.s32 s1, $0x0;
	_ =	strace $0x9000004A  }
0x4d: {  	s0 =	sadd.s32 @!p0 $0x100000, s0;
	[bflag:$0x2] =	sbarrier.arrive $0xFFFF  }
0x4e: {  	[sflag:s0] =	ssyncadd.tile.s32 @!p0 $0x1;
	_ =	shalt  }
.Lfunc_end2:
_tile_overlayer_lowered:
.L_overlay_start_2:
0x4f: {  	(tag) =	ssettag $0x2  }
0x50: {  	s0 =	rddreg [dreg:$0x0];
	s2 =	stileid.u32  }
0x51: {  	s1 =	rddreg [dreg:$0x1];
	p0 =	sne.s32 s2, $0x0  }
0x52: {  	s3 =	rddreg [dreg:$0x2];
	[bflag:$0x3] =	sbarrier.arrive $0xFFFF;
	s2 =	simm.s32 @!p0 $0x1C02  }
0x53: {  	[timem:s3], [sflag:s2] =	dma.local @!p0 [hbm:s0], s1  }
0x54: {  	s0 =	simm.s32 @!p0 $0x2  }
0x55: {  	_ =	swait.ge @!p0 [sflag:s0], s1  }
0x56: {  	s1 =	ssub.s32 @!p0 $0x0, s1;
	[sflag:s0] =	ssyncset.done @!p0 $0x0  }
0x57: {  	[sflag:s0] =	ssyncadd.s32 @!p0 s1  }
0x58: {  	[bflag:$0x3] =	sbarrier.arrive $0xFFFF  }
0x59: {  	_ =	shalt  }

// kernel: kernel.14.cloned.1.call-start
scs
__scs_entry_jumppad:
0x0: {  	(pc) =	sbr.rel $0x88, $3  }
0x1: {  	(tag) =	ssettag $0x0;
	lr =	simm.s32 $0x1  }
0x2: {  	[smem:$0x3F8F] =	sst lr;
	_ =	strace $0xD0000000  }
0x3: {  	_ = 	snop  }
0x4: {  	_ = 	snop  }
0x5: {  	_ = 	snop  }
0x6: {  	_ = 	snop  }
0x7: {  	_ = 	snop  }
__scs_overlays_trampoline_lowered:
0x8: {  	[smem:$0x3F9E] =	sst s0  }
0x9: {  	[smem:$0x3F9F] =	sst s1  }
0xa: {  	[smem:$0x3FA0] =	sst s2  }
0xb: {  	[smem:$0x3FA1] =	sst s3  }
0xc: {  	[smem:$0x3FA2] =	sst s4  }
0xd: {  	[smem:$0x3FA3] =	sst s5  }
0xe: {  	[smem:$0x3FA4] =	sst s6  }
0xf: {  	[smem:$0x3FA5] =	sst s7  }
0x10: {  	[smem:$0x3FA6] =	sst s8  }
0x11: {  	[smem:$0x3FA7] =	sst s9;
	s0 =	simm.s32 @!p0 $0x0  }
0x12: {  	s1 =	sld [smem:$0x3F8D];
	s0 =	simm.s32 @p0 $0x1  }
0x13: {  	[smem:$0x3FA8] =	sst s0;
	s0 =	simm.s32 @!p1 $0x0  }
0x14: {  	s2 =	sld [smem:$0x3F8C];
	s0 =	simm.s32 @p1 $0x1  }
0x15: {  	[smem:$0x3FA9] =	sst s0;
	s0 =	simm.s32 @!p2 $0x0  }
0x16: {  	s3 =	sld [smem:$0x3FDB];
	s0 =	simm.s32 @p2 $0x1  }
0x17: {  	s4 =	simm.s32 $0x1BF5;
	[smem:$0x3FAB] =	sst s0  }
0x18: {  	s0 =	sld [smem:$0x3F8E];
	_ =	swait.ge [sflag:s4], $0x0  }
0x19: {  	s7 =	sld [smem:$0x3F8F]  }
0x1a: {  	s8 =	sadd.s32 $0xFFFFE003, lr  }
0x1b: {  	s9 =	sadd.s32 $0xFFFFFEF7, lr;
	s5 =	simm.s32 $0xFFFFFFFF;
	p2 =	slt.u32 s8, $0xFFFFF086  }
0x1c: {  	p1 =	slt.u32 s9, $0xF7A;
	s5 =	simm.s32 @!p2 $0x0  }
0x1d: {  	s5 =	simm.s32 @p1 $0x1;
	p0 =	seq.s32 s7, s2  }
0x1e: {  	s7 =	smul.u32 @!p0 $0xF7A, s2;
	p2 =	seq.s32 @!p0 s5, $0x0  }
0x1f: {  	s9 =	smul.u32 $0xF7A, s1;
	s8 =	simm.s32 @!p0 $0x1BF5;
	p2 =	por !p2, p0  }
0x20: {  	[sflag:s8] =	ssyncset.s32 @!p0 $0xFFFFF086;
	s6 =	sadd.s32 @!p0 s3, s7;
	s7 =	simm.s32 @!p0 $0x108  }
0x21: {  	s3 =	sadd.s32 s3, s9;
	s6 =	sadd.s32 @!p0 $0x88, s6;
	s7 =	simm.s32 @p2 $0x1082  }
0x22: {  	[simem:s7], [sflag:s8] =	dma.local @!p0 [hbm:s6], $0xF7A  }
0x23: {  	s9 =	sor.u32 $0xD0000000, s2;
	s6 =	simm.s32 $0x108;
	_ =	swait.ge @!p0 [sflag:s8], $0x0  }
0x24: {  	s3 =	sadd.s32 $0x88, s3;
	s6 =	simm.s32 @!p1 $0x1082;
	[sflag:s4] =	ssyncset.s32 $0xFFFFF086  }
0x25: {  	[simem:s6], [sflag:s4] =	dma.local [hbm:s3], $0xF7A  }
0x26: {  	[smem:$0x3F8F] =	sst s1;
	(tag) =	ssettag s2;
	_ =	strace s9  }
0x27: {  	s1 =	sld [smem:$0x3F9F]  }
0x28: {  	s2 =	sld [smem:$0x3FA0]  }
0x29: {  	s4 =	sld [smem:$0x3FA2]  }
0x2a: {  	p0 =	seq.s32 s5, $0x0;
	s5 =	sld [smem:$0x3FA3]  }
0x2b: {  	s6 =	sld [smem:$0x3FA4]  }
0x2c: {  	s7 =	sld [smem:$0x3FA5]  }
0x2d: {  	s3 =	simm.s32 $0x108;
	s8 =	sld [smem:$0x3FA6]  }
0x2e: {  	s3 =	simm.s32 @!p0 $0x1082;
	s9 =	sld [smem:$0x3FA7]  }
0x2f: {  	lr =	sadd.s32 s0, s3;
	s0 =	sld [smem:$0x3F9E]  }
0x30: {  	s3 =	sld [smem:$0x3FA1]  }
0x31: {  	[smem:$0x3FAA] =	sst s10  }
0x32: {  	s10 =	sld [smem:$0x3FA8];
	_ =	sdelay $0x3  }
0x33: {  	p0 =	seq.s32 s10, $0x1;
	s10 =	sld [smem:$0x3FAA];
	_ =	sdelay $0x3  }
0x34: {  	[smem:$0x3FAA] =	sst s10  }
0x35: {  	s10 =	sld [smem:$0x3FA9];
	_ =	sdelay $0x3  }
0x36: {  	p1 =	seq.s32 s10, $0x1;
	s10 =	sld [smem:$0x3FAA];
	_ =	sdelay $0x3  }
0x37: {  	[smem:$0x3FAA] =	sst s10  }
0x38: {  	s10 =	sld [smem:$0x3FAB]  }
0x39: {  	_ = 	snop;
	(pc) =	sbr.ind lr, $3  }
0x3a: {  	_ = 	snop  }
0x3b: {  	_ = 	snop  }
0x3c: {  	p2 =	seq.s32 s10, $0x1;
	s10 =	sld [smem:$0x3FAA]  }
0x3d: {  	_ =	shalt  }
0x3e: {  	_ =	shalt  }
0x3f: {  	_ =	shalt  }
0x40: {  	_ =	shalt  }
0x41: {  	_ =	shalt  }
0x42: {  	_ =	shalt  }
0x43: {  	_ =	shalt  }
0x44: {  	_ =	shalt  }
0x45: {  	_ =	shalt  }
0x46: {  	_ =	shalt  }
0x47: {  	_ =	shalt  }
0x48: {  	_ =	shalt  }
0x49: {  	_ =	shalt  }
0x4a: {  	_ =	shalt  }
0x4b: {  	_ =	shalt  }
0x4c: {  	_ =	shalt  }
0x4d: {  	_ =	shalt  }
0x4e: {  	_ =	shalt  }
0x4f: {  	_ =	shalt  }
0x50: {  	_ =	shalt  }
0x51: {  	_ =	shalt  }
0x52: {  	_ =	shalt  }
0x53: {  	_ =	shalt  }
0x54: {  	_ =	shalt  }
0x55: {  	_ =	shalt  }
0x56: {  	_ =	shalt  }
0x57: {  	_ =	shalt  }
0x58: {  	_ =	shalt  }
0x59: {  	_ =	shalt  }
0x5a: {  	_ =	shalt  }
0x5b: {  	_ =	shalt  }
0x5c: {  	_ =	shalt  }
0x5d: {  	_ =	shalt  }
0x5e: {  	_ =	shalt  }
0x5f: {  	_ =	shalt  }
0x60: {  	_ =	shalt  }
0x61: {  	_ =	shalt  }
0x62: {  	_ =	shalt  }
0x63: {  	_ =	shalt  }
0x64: {  	_ =	shalt  }
0x65: {  	_ =	shalt  }
0x66: {  	_ =	shalt  }
0x67: {  	_ =	shalt  }
0x68: {  	_ =	shalt  }
0x69: {  	_ =	shalt  }
0x6a: {  	_ =	shalt  }
0x6b: {  	_ =	shalt  }
0x6c: {  	_ =	shalt  }
0x6d: {  	_ =	shalt  }
0x6e: {  	_ =	shalt  }
0x6f: {  	_ =	shalt  }
0x70: {  	_ =	shalt  }
0x71: {  	_ =	shalt  }
0x72: {  	_ =	shalt  }
0x73: {  	_ =	shalt  }
0x74: {  	_ =	shalt  }
0x75: {  	_ =	shalt  }
0x76: {  	_ =	shalt  }
0x77: {  	_ =	shalt  }
0x78: {  	_ =	shalt  }
0x79: {  	_ =	shalt  }
0x7a: {  	_ =	shalt  }
0x7b: {  	_ =	shalt  }
0x7c: {  	_ =	shalt  }
0x7d: {  	_ =	shalt  }
0x7e: {  	_ =	shalt  }
0x7f: {  	_ =	shalt  }
0x80: {  	_ =	shalt  }
0x81: {  	_ =	shalt  }
0x82: {  	_ =	shalt  }
0x83: {  	_ =	shalt  }
0x84: {  	_ =	shalt  }
0x85: {  	_ =	shalt  }
0x86: {  	_ =	shalt  }
0x87: {  	_ =	shalt  }
.Lfunc_end0:
.L_simem_size_0:
called_computation.2_lowered:
.L_overlay_start_0:
0x88: {  	s2 =	sld [smem:$0x3FD9]  }
0x89: {  	s3 =	sld [smem:$0x3FFE];
	_ =	sdelay $0x1  }
0x8a: {  	s1 =	srdreg.scid  }
0x8b: {  	s0 =	sand.u32 $0x1, s1  }
0x8c: {  	s16 =	sshll.u32 s0, $0xA;
	s2 =	sadd.s32 s3, s2  }
0x8d: {  	s2 =	sadd.s32 s2, s16  }
0x8e: {  	[smem:$0x3FB6] =	sst s2  }
0x8f: {  	_ = 	snop  }
0x90: {  	(tm) =	ssettm $0x1  }
0x91: {  	s17 =	sld [smem:$0x3FFB];
	_ =	sdelay $0x3  }
0x92: {  	_ =	strace s17  }
0x93: {  	s2 =	sld [smem:$0x3FFC];
	_ =	sdelay $0x3  }
0x94: {  	_ =	strace s2  }
0x95: {  	s2 =	sld [smem:$0x3FFD];
	_ =	sdelay $0x3  }
0x96: {  	_ =	strace s2  }
0x97: {  	_ =	strace $0x8FFFFFFF  }
0x98: {  	s18 =	sld [smem:$0x3FDB];
	_ =	sdelay $0x1  }
0x99: {  	s19 =	simm.s32 $_scs_section_size  }
0x9a: {  	s4 =	simm.s32 $_size__tile_overlayer_lowered;
	s5 =	simm.s32 $_tile_overlayer_lowered  }
0x9b: {  	s22 =	simm.s32 $0x1BFF;
	s21 =	sshll.u32 s5, $0x1;
	s2 =	sadd.s32 s19, s18  }
0x9c: {  	s6 =	simm.s32 $0x0;
	s20 =	sshll.u32 s4, $0x1;
	s4 =	sadd.s32 s21, s2  }
0x9d: {  	[timem:s6], [sflag:s22] =	dma.local [hbm:s4], s20  }
0x9e: {  	_ =	swait.ge [sflag:s22], s20  }
0x9f: {  	s3 =	ssub.s32 $0x0, s20;
	[sflag:s22] =	ssyncset.done $0x0  }
0xa0: {  	[sflag:s22] =	ssyncadd.s32 s3;
	_ =	sdelay $0x1  }
0xa1: {  	s23 =	simm.s32 $0x1B8B  }
0xa2: {  	_ =	swait.ge [sflag:s23], $0x1  }
0xa3: {  	[sflag:s23] =	ssyncset.done $0x0  }
0xa4: {  	s25 =	simm.s32 $0x1B8E;
	s24 =	sld [smem:$0x3FFE];
	[sflag:s23] =	ssyncadd.s32 $0xFFFFFFFF  }
0xa5: {  	s26 =	simm.s32 $execute0_lowered;
	[smem:$0x3FD2] =	sst s25  }
0xa6: {  	s4 =	sshll.u32 s26, $0x1;
	_ =	strace $0x8000004C;
	[dreg:$0x1] =	wrdreg $0xFFFFFFFF  }
0xa7: {  	s28 =	simm.s32 $_size_execute0_lowered;
	s2 =	sadd.s32 s2, s4;
	[dreg:$0x0] =	wrdreg $0x0  }
0xa8: {  	s4 =	sshll.u32 s28, $0x1;
	[dreg:$0x2] =	wrdreg s2  }
0xa9: {  	[dreg:$0x3] =	wrdreg s4  }
0xaa: {  	[dreg:$0x4] =	wrdreg $0xC0  }
0xab: {  	_ =	task [dreg:s6], $0x5FFFF  }
0xac: {  	[dreg:$0x1] =	wrdreg $0xFFFFFFFF  }
0xad: {  	[dreg:$0x0] =	wrdreg $0x60  }
0xae: {  	[dreg:$0x2] =	wrdreg s24  }
0xaf: {  	[dreg:$0x3] =	wrdreg $0x41000  }
0xb0: {  	[dreg:$0x4] =	wrdreg $0x9  }
0xb1: {  	_ =	task.clear_ibuf [dreg:s6], $0x5FFFF;
	_ =	strace $0x9000004C  }
0xb2: {  	s29 =	simm.s32 $0x9;
	_ =	strace $0x8000004E  }
0xb3: {  	_ =	swait.ge [sflag:s29], $0x1  }
0xb4: {  	[sflag:s29] =	ssyncadd.s32 $0xFFFFFFFF  }
0xb5: {  	_ =	strace $0x9000004E  }
0xb6: {  	_ =	sfence  }
0xb7: {  	s30 =	sld [smem:$0x0];
	_ =	sdelay $0x2  }
0xb8: {  	s31 =	sshll.u32 s1, $0xD;
	s1 =	sshrl.u32 s1, $0x2  }
0xb9: {  	s3 =	sand.u32 $0x4000, s31;
	s1 =	sadd.s32 s1, s30  }
0xba: {  	s0 =	sor.u32 s3, s0;
	s1 =	sshll.u32 s1, $0x11  }
0xbb: {  	s0 =	sor.u32 s1, s0  }
0xbc: {  	s0 =	sadd.s32 $0x8F2B, s0  }
0xbd: {  	[sflag:s0] =	ssyncadd.remote.s32 $0x1  }
0xbe: {  	_ =	sfence.sel $0xFFFF  }
0xbf: {  	[dreg:$0x0] =	wrdreg $0xFFFFFFFF;
	(pc) =	sbr.abs _section_cstart, $3  }
0xc0: {  	[dreg:$0x1] =	wrdreg $0xFFFFFFFF  }
0xc1: {  	_ =	task.clear_ibuf [dreg:s6], $0x2FFFF;
	_ =	strace $0x9FFFFFFF  }
0xc2: {  	(tm) =	ssettm $0x7FFFFFFF  }
0xc3: {  	_ =	shalt  }
tec
execute0_lowered:
.L_overlay_start_1:
0x0: {  	(tag) =	ssettag $0x1  }
0x1: {  	s5 =	rddreg [dreg:$0x0]  }
0x2: {  	s2 =	rddreg [dreg:$0x1]  }
0x3: {  	s0 =	rddreg [dreg:$0x2];
	s3 =	simm.s32 $0x0;
	s1 =	stileid.u32  }
0x4: {  	s4 =	srdreg.scid;
	s14 =	simm.s32 $0x1;
	s6 =	smul.u32 $0xA20, s1  }
0x5: {  	[smem:$0x7FF] =	sst s3;
	s15 =	smul.u32 $0x2800, s1;
	s7 =	sand.u32 $0x1, s4  }
0x6: {  	s4 =	sadd.s32 $0x2C000, s5;
	s11 =	smul.u32 $0x50000, s1;
	s29 =	sshll.u32 s1, $0x6  }
0x7: {  	_ =	strace $0x8000004D;
	s8 =	smul.u32 $0x28000, s7;
	s9 =	ssub.s32 $0x2, s7  }
0x8: {  	s30 =	smul.u32 $0x510, s7;
	s10 =	sadd.s32 s6, s5;
	s26 =	sshrl.u32 s9, $0x1  }
0x9: {  	s12 =	sadd.s32 s15, s5;
	s28 =	sshrl.u32 s11, $0x2;
	s6 =	sor.u32 $0x1C02, s29  }
0xa: {  	s11 =	simm.s32 $0x2;
	s8 =	sadd.s32 s8, s5;
	s9 =	ssub.s32 s9, s26  }
0xb: {  	s13 =	sadd.s32 s28, s2;
	s5 =	sadd.s32 $0x4000, s12;
	s31 =	sadd.s32 s30, s10  }
0xc: {  	s12 =	simm.s32 $0x80;
	s16 =	sadd.s32 $0x90C00, s8;
	s7 =	smax.u32 s9, $0x1  }
0xd: {  	s8 =	sadd.s32 $0x86A00, s31;
	s9 =	sadd.s32 $0x7C800, s31;
	s10 =	sshrl.u32 s13, $0x3  }
0xe: {  	s13 =	simm.s32 $0x100;
	s15 =	sadd.s32 s15, s16;
	s16 =	simm.s32 $0x0  }
.LBB2_1:
0xf: {  	[spmem:s10], [sflag:s6] =	dma.local [hbm:s5], $0x2800  }
0x10: {  	_ =	swait.ge [sflag:s11], $0x2800  }
0x11: {  	[sflag:s11] =	ssyncset.done $0x0  }
0x12: {  	[sflag:s11] =	ssyncadd.s32 $0xFFFFD800  }
0x13: {  	s17 =	sadd.s32 $0x0, s9;
	[bflag:$0x0] =	sbarrier.arrive $0xFFFF  }
0x14: {  	[tilespmem:s3], [sflag:$0x2] =	stream.linear.gather [hbm4b:s17+s3], $0x80, $0x38;
	[tilespmem:$0x18100] =	vst v63  }
0x15: {  	_ =	swait.ge [sflag:s11], $0x80  }
0x16: {  	[sflag:s11] =	ssyncset.done $0x0  }
0x17: {  	s31 =	sadd.s32 $0x0, s8;
	[sflag:s11] =	ssyncadd.s32 $0xFFFFFF80  }
0x18: {  	[tilespmem:s12], [sflag:$0x2] =	stream.linear.gather [hbm4b:s31+s3], $0x80, $0x38;
	[tilespmem:$0x18100] =	vst v63  }
0x19: {  	_ =	swait.ge [sflag:s11], $0x80  }
0x1a: {  	[sflag:s11] =	ssyncset.done $0x0  }
0x1b: {  	[sflag:s11] =	ssyncadd.s32 $0xFFFFFF80  }
0x1c: {  	[tilespmem:s13], [sflag:$0x1] =	stream.indirect.gather [hbm4b:s4+s12], $0x80, s3, s12, $0xb8;
	[tilespmem:$0x18100] =	vst v63  }
0x1d: {  	_ =	swait.ge [sflag:s14], $0x4000  }
0x1e: {  	[sflag:s14] =	ssyncset.done $0x0  }
0x1f: {  	[sflag:s14] =	ssyncadd.s32 $0xFFFFC000  }
0x20: {  	[spmem:s2] =	stream.indirect.scatter.add.f32 [tilespmem:s13], [sflag:$0x2], $0x80, s12, s12, $0xb8;
	[tilespmem:$0x18100] =	vst v63  }
0x21: {  	_ =	swait.ge [sflag:s11], $0x4000  }
0x22: {  	s18 =	simm.s32 $0x20;
	s17 =	simm.s32 $0x10;
	[sflag:s11] =	ssyncset.done $0x0  }
.LBB2_2:
0x23: {  	s19 =	sadd.s32 s17, s9  }
0x24: {  	[sflag:s11] =	ssyncadd.s32 $0xFFFFC000;
	s20 =	smov.u32 s18;
	s21 =	sadd.s32 $0x10, s18  }
0x25: {  	[tilespmem:s3], [sflag:$0x2] =	stream.linear.gather [hbm4b:s19+s3], $0x80, $0x38;
	[tilespmem:$0x18100] =	vst v63  }
0x26: {  	p0 =	sne.s32 s18, $0x4F0;
	_ =	swait.ge [sflag:s11], $0x80  }
0x27: {  	[sflag:s11] =	ssyncset.done $0x0  }
0x28: {  	s18 =	sadd.s32 s17, s8;
	s17 =	smov.u32 s20;
	[sflag:s11] =	ssyncadd.s32 $0xFFFFFF80  }
0x29: {  	[tilespmem:s12], [sflag:$0x2] =	stream.linear.gather [hbm4b:s18+s3], $0x80, $0x38;
	[tilespmem:$0x18100] =	vst v63  }
0x2a: {  	_ =	swait.ge [sflag:s11], $0x80  }
0x2b: {  	[sflag:s11] =	ssyncset.done $0x0  }
0x2c: {  	[sflag:s11] =	ssyncadd.s32 $0xFFFFFF80  }
0x2d: {  	[tilespmem:s13], [sflag:$0x1] =	stream.indirect.gather [hbm4b:s4+s12], $0x80, s3, s12, $0xb8;
	[tilespmem:$0x18100] =	vst v63  }
0x2e: {  	_ =	swait.ge [sflag:s14], $0x4000  }
.Ltmp0:
0x2f: {  	[sflag:s14] =	ssyncset.done $0x0;
	(pc) =	sbr.rel @p0 .LBB2_2-.Ltmp0, $4  }
0x30: {  	[sflag:s14] =	ssyncadd.s32 $0xFFFFC000  }
0x31: {  	[spmem:s2] =	stream.indirect.scatter.add.f32 [tilespmem:s13], [sflag:$0x2], $0x80, s12, s12, $0xb8;
	[tilespmem:$0x18100] =	vst v63  }
0x32: {  	_ =	swait.ge [sflag:s11], $0x4000  }
0x33: {  	s18 =	smov.u32 s21;
	[sflag:s11] =	ssyncset.done $0x0  }
0x34: {  	s18 =	sadd.s32 s17, s9;
	[sflag:s11] =	ssyncadd.s32 $0xFFFFC000  }
0x35: {  	[tilespmem:s3], [sflag:$0x2] =	stream.linear.gather [hbm4b:s18+s3], $0x80, $0x38;
	[tilespmem:$0x18100] =	vst v63  }
0x36: {  	_ =	swait.ge [sflag:s11], $0x80  }
0x37: {  	[sflag:s11] =	ssyncset.done $0x0  }
0x38: {  	s31 =	sadd.s32 s17, s8;
	[sflag:s11] =	ssyncadd.s32 $0xFFFFFF80  }
0x39: {  	[tilespmem:s12], [sflag:$0x2] =	stream.linear.gather [hbm4b:s31+s3], $0x80, $0x38;
	[tilespmem:$0x18100] =	vst v63  }
0x3a: {  	_ =	swait.ge [sflag:s11], $0x80  }
0x3b: {  	[sflag:s11] =	ssyncset.done $0x0  }
0x3c: {  	[sflag:s11] =	ssyncadd.s32 $0xFFFFFF80  }
0x3d: {  	[tilespmem:s13], [sflag:$0x1] =	stream.indirect.gather [hbm4b:s4+s12], $0x80, s3, s12, $0xb8;
	[tilespmem:$0x18100] =	vst v63  }
0x3e: {  	_ =	swait.ge [sflag:s14], $0x4000  }
0x3f: {  	[sflag:s14] =	ssyncset.done $0x0  }
0x40: {  	[sflag:s14] =	ssyncadd.s32 $0xFFFFC000  }
0x41: {  	[spmem:s2] =	stream.indirect.scatter.add.f32 [tilespmem:s13], [sflag:$0x2], $0x80, s12, s12, $0xb8;
	[tilespmem:$0x18100] =	vst v63  }
0x42: {  	_ =	swait.ge [sflag:s11], $0x4000  }
0x43: {  	s16 =	sadd.s32 $0x1, s16;
	[sflag:s11] =	ssyncset.done $0x0  }
0x44: {  	p0 =	sne.s32 s16, s7;
	[sflag:s11] =	ssyncadd.s32 $0xFFFFC000  }
.Ltmp1:
0x45: {  	[bflag:$0x0] =	sbarrier.arrive $0xFFFF;
	(pc) =	sbr.rel @p0 .LBB2_1-.Ltmp1, $4  }
0x46: {  	[hbm:s15], [sflag:s6] =	dma.local [spmem:s10], $0x2800  }
0x47: {  	_ =	swait.ge [sflag:s11], $0x2800  }
0x48: {  	[sflag:s11] =	ssyncset.done $0x0  }
0x49: {  	[sflag:s11] =	ssyncadd.s32 $0xFFFFD800  }
0x4a: {  	_ =	sfence.sel $0x180000  }
0x4b: {  	[bflag:$0x0] =	sbarrier.arrive $0xFFFF  }
0x4c: {  	p0 =	sne.s32 s1, $0x0;
	_ =	strace $0x9000004D  }
0x4d: {  	s0 =	sadd.s32 @!p0 $0x100000, s0;
	[bflag:$0x2] =	sbarrier.arrive $0xFFFF  }
0x4e: {  	[sflag:s0] =	ssyncadd.tile.s32 @!p0 $0x1;
	_ =	shalt  }
.Lfunc_end2:
_tile_overlayer_lowered:
.L_overlay_start_2:
0x4f: {  	(tag) =	ssettag $0x2  }
0x50: {  	s0 =	rddreg [dreg:$0x0];
	s2 =	stileid.u32  }
0x51: {  	s1 =	rddreg [dreg:$0x1];
	p0 =	sne.s32 s2, $0x0  }
0x52: {  	s3 =	rddreg [dreg:$0x2];
	[bflag:$0x3] =	sbarrier.arrive $0xFFFF;
	s2 =	simm.s32 @!p0 $0x1C02  }
0x53: {  	[timem:s3], [sflag:s2] =	dma.local @!p0 [hbm:s0], s1  }
0x54: {  	s0 =	simm.s32 @!p0 $0x2  }
0x55: {  	_ =	swait.ge @!p0 [sflag:s0], s1  }
0x56: {  	s1 =	ssub.s32 @!p0 $0x0, s1;
	[sflag:s0] =	ssyncset.done @!p0 $0x0  }
0x57: {  	[sflag:s0] =	ssyncadd.s32 @!p0 s1  }
0x58: {  	[bflag:$0x3] =	sbarrier.arrive $0xFFFF  }
0x59: {  	_ =	shalt  }

// kernel: kernel.8.cloned.1.call-start
scs
__scs_entry_jumppad:
0x0: {  	(pc) =	sbr.rel $0x88, $3  }
0x1: {  	(tag) =	ssettag $0x0;
	lr =	simm.s32 $0x1  }
0x2: {  	[smem:$0x3F8F] =	sst lr;
	_ =	strace $0xD0000000  }
0x3: {  	_ = 	snop  }
0x4: {  	_ = 	snop  }
0x5: {  	_ = 	snop  }
0x6: {  	_ = 	snop  }
0x7: {  	_ = 	snop  }
__scs_overlays_trampoline_lowered:
0x8: {  	[smem:$0x3F9E] =	sst s0  }
0x9: {  	[smem:$0x3F9F] =	sst s1  }
0xa: {  	[smem:$0x3FA0] =	sst s2  }
0xb: {  	[smem:$0x3FA1] =	sst s3  }
0xc: {  	[smem:$0x3FA2] =	sst s4  }
0xd: {  	[smem:$0x3FA3] =	sst s5  }
0xe: {  	[smem:$0x3FA4] =	sst s6  }
0xf: {  	[smem:$0x3FA5] =	sst s7  }
0x10: {  	[smem:$0x3FA6] =	sst s8  }
0x11: {  	[smem:$0x3FA7] =	sst s9;
	s0 =	simm.s32 @!p0 $0x0  }
0x12: {  	s1 =	sld [smem:$0x3F8D];
	s0 =	simm.s32 @p0 $0x1  }
0x13: {  	[smem:$0x3FA8] =	sst s0;
	s0 =	simm.s32 @!p1 $0x0  }
0x14: {  	s2 =	sld [smem:$0x3F8C];
	s0 =	simm.s32 @p1 $0x1  }
0x15: {  	[smem:$0x3FA9] =	sst s0;
	s0 =	simm.s32 @!p2 $0x0  }
0x16: {  	s3 =	sld [smem:$0x3FDB];
	s0 =	simm.s32 @p2 $0x1  }
0x17: {  	s4 =	simm.s32 $0x1BF5;
	[smem:$0x3FAB] =	sst s0  }
0x18: {  	s0 =	sld [smem:$0x3F8E];
	_ =	swait.ge [sflag:s4], $0x0  }
0x19: {  	s7 =	sld [smem:$0x3F8F]  }
0x1a: {  	s8 =	sadd.s32 $0xFFFFE003, lr  }
0x1b: {  	s9 =	sadd.s32 $0xFFFFFEF7, lr;
	s5 =	simm.s32 $0xFFFFFFFF;
	p2 =	slt.u32 s8, $0xFFFFF086  }
0x1c: {  	p1 =	slt.u32 s9, $0xF7A;
	s5 =	simm.s32 @!p2 $0x0  }
0x1d: {  	s5 =	simm.s32 @p1 $0x1;
	p0 =	seq.s32 s7, s2  }
0x1e: {  	s7 =	smul.u32 @!p0 $0xF7A, s2;
	p2 =	seq.s32 @!p0 s5, $0x0  }
0x1f: {  	s9 =	smul.u32 $0xF7A, s1;
	s8 =	simm.s32 @!p0 $0x1BF5;
	p2 =	por !p2, p0  }
0x20: {  	[sflag:s8] =	ssyncset.s32 @!p0 $0xFFFFF086;
	s6 =	sadd.s32 @!p0 s3, s7;
	s7 =	simm.s32 @!p0 $0x108  }
0x21: {  	s3 =	sadd.s32 s3, s9;
	s6 =	sadd.s32 @!p0 $0x88, s6;
	s7 =	simm.s32 @p2 $0x1082  }
0x22: {  	[simem:s7], [sflag:s8] =	dma.local @!p0 [hbm:s6], $0xF7A  }
0x23: {  	s9 =	sor.u32 $0xD0000000, s2;
	s6 =	simm.s32 $0x108;
	_ =	swait.ge @!p0 [sflag:s8], $0x0  }
0x24: {  	s3 =	sadd.s32 $0x88, s3;
	s6 =	simm.s32 @!p1 $0x1082;
	[sflag:s4] =	ssyncset.s32 $0xFFFFF086  }
0x25: {  	[simem:s6], [sflag:s4] =	dma.local [hbm:s3], $0xF7A  }
0x26: {  	[smem:$0x3F8F] =	sst s1;
	(tag) =	ssettag s2;
	_ =	strace s9  }
0x27: {  	s1 =	sld [smem:$0x3F9F]  }
0x28: {  	s2 =	sld [smem:$0x3FA0]  }
0x29: {  	s4 =	sld [smem:$0x3FA2]  }
0x2a: {  	p0 =	seq.s32 s5, $0x0;
	s5 =	sld [smem:$0x3FA3]  }
0x2b: {  	s6 =	sld [smem:$0x3FA4]  }
0x2c: {  	s7 =	sld [smem:$0x3FA5]  }
0x2d: {  	s3 =	simm.s32 $0x108;
	s8 =	sld [smem:$0x3FA6]  }
0x2e: {  	s3 =	simm.s32 @!p0 $0x1082;
	s9 =	sld [smem:$0x3FA7]  }
0x2f: {  	lr =	sadd.s32 s0, s3;
	s0 =	sld [smem:$0x3F9E]  }
0x30: {  	s3 =	sld [smem:$0x3FA1]  }
0x31: {  	[smem:$0x3FAA] =	sst s10  }
0x32: {  	s10 =	sld [smem:$0x3FA8];
	_ =	sdelay $0x3  }
0x33: {  	p0 =	seq.s32 s10, $0x1;
	s10 =	sld [smem:$0x3FAA];
	_ =	sdelay $0x3  }
0x34: {  	[smem:$0x3FAA] =	sst s10  }
0x35: {  	s10 =	sld [smem:$0x3FA9];
	_ =	sdelay $0x3  }
0x36: {  	p1 =	seq.s32 s10, $0x1;
	s10 =	sld [smem:$0x3FAA];
	_ =	sdelay $0x3  }
0x37: {  	[smem:$0x3FAA] =	sst s10  }
0x38: {  	s10 =	sld [smem:$0x3FAB]  }
0x39: {  	_ = 	snop;
	(pc) =	sbr.ind lr, $3  }
0x3a: {  	_ = 	snop  }
0x3b: {  	_ = 	snop  }
0x3c: {  	p2 =	seq.s32 s10, $0x1;
	s10 =	sld [smem:$0x3FAA]  }
0x3d: {  	_ =	shalt  }
0x3e: {  	_ =	shalt  }
0x3f: {  	_ =	shalt  }
0x40: {  	_ =	shalt  }
0x41: {  	_ =	shalt  }
0x42: {  	_ =	shalt  }
0x43: {  	_ =	shalt  }
0x44: {  	_ =	shalt  }
0x45: {  	_ =	shalt  }
0x46: {  	_ =	shalt  }
0x47: {  	_ =	shalt  }
0x48: {  	_ =	shalt  }
0x49: {  	_ =	shalt  }
0x4a: {  	_ =	shalt  }
0x4b: {  	_ =	shalt  }
0x4c: {  	_ =	shalt  }
0x4d: {  	_ =	shalt  }
0x4e: {  	_ =	shalt  }
0x4f: {  	_ =	shalt  }
0x50: {  	_ =	shalt  }
0x51: {  	_ =	shalt  }
0x52: {  	_ =	shalt  }
0x53: {  	_ =	shalt  }
0x54: {  	_ =	shalt  }
0x55: {  	_ =	shalt  }
0x56: {  	_ =	shalt  }
0x57: {  	_ =	shalt  }
0x58: {  	_ =	shalt  }
0x59: {  	_ =	shalt  }
0x5a: {  	_ =	shalt  }
0x5b: {  	_ =	shalt  }
0x5c: {  	_ =	shalt  }
0x5d: {  	_ =	shalt  }
0x5e: {  	_ =	shalt  }
0x5f: {  	_ =	shalt  }
0x60: {  	_ =	shalt  }
0x61: {  	_ =	shalt  }
0x62: {  	_ =	shalt  }
0x63: {  	_ =	shalt  }
0x64: {  	_ =	shalt  }
0x65: {  	_ =	shalt  }
0x66: {  	_ =	shalt  }
0x67: {  	_ =	shalt  }
0x68: {  	_ =	shalt  }
0x69: {  	_ =	shalt  }
0x6a: {  	_ =	shalt  }
0x6b: {  	_ =	shalt  }
0x6c: {  	_ =	shalt  }
0x6d: {  	_ =	shalt  }
0x6e: {  	_ =	shalt  }
0x6f: {  	_ =	shalt  }
0x70: {  	_ =	shalt  }
0x71: {  	_ =	shalt  }
0x72: {  	_ =	shalt  }
0x73: {  	_ =	shalt  }
0x74: {  	_ =	shalt  }
0x75: {  	_ =	shalt  }
0x76: {  	_ =	shalt  }
0x77: {  	_ =	shalt  }
0x78: {  	_ =	shalt  }
0x79: {  	_ =	shalt  }
0x7a: {  	_ =	shalt  }
0x7b: {  	_ =	shalt  }
0x7c: {  	_ =	shalt  }
0x7d: {  	_ =	shalt  }
0x7e: {  	_ =	shalt  }
0x7f: {  	_ =	shalt  }
0x80: {  	_ =	shalt  }
0x81: {  	_ =	shalt  }
0x82: {  	_ =	shalt  }
0x83: {  	_ =	shalt  }
0x84: {  	_ =	shalt  }
0x85: {  	_ =	shalt  }
0x86: {  	_ =	shalt  }
0x87: {  	_ =	shalt  }
.Lfunc_end0:
.L_simem_size_0:
called_computation_lowered:
.L_overlay_start_0:
0x88: {  	s2 =	sld [smem:$0x3FD9]  }
0x89: {  	s3 =	sld [smem:$0x3FFE];
	_ =	sdelay $0x1  }
0x8a: {  	s1 =	srdreg.scid  }
0x8b: {  	s0 =	sand.u32 $0x1, s1  }
0x8c: {  	s17 =	sshll.u32 s0, $0xA;
	s2 =	sadd.s32 s3, s2  }
0x8d: {  	s2 =	sadd.s32 s2, s17  }
0x8e: {  	[smem:$0x3FB6] =	sst s2  }
0x8f: {  	_ = 	snop  }
0x90: {  	s2 =	sld [smem:$0x3FD0];
	(tm) =	ssettm $0x1  }
0x91: {  	s18 =	sld [smem:$0x3FFB];
	_ =	sdelay $0x3  }
0x92: {  	_ =	strace s18  }
0x93: {  	s3 =	sld [smem:$0x3FFC];
	_ =	sdelay $0x3  }
0x94: {  	_ =	strace s3  }
0x95: {  	s3 =	sld [smem:$0x3FFD];
	_ =	sdelay $0x3  }
0x96: {  	_ =	strace s3  }
0x97: {  	_ =	strace $0x8FFFFFFF  }
0x98: {  	s19 =	sld [smem:$0x3FDB];
	_ =	sdelay $0x1  }
0x99: {  	s4 =	simm.s32 $_scs_section_size  }
0x9a: {  	s5 =	simm.s32 $_size__tile_overlayer_lowered;
	s6 =	simm.s32 $_tile_overlayer_lowered  }
0x9b: {  	s22 =	simm.s32 $0x1BFF;
	s21 =	sshll.u32 s6, $0x1;
	s3 =	sadd.s32 s4, s19  }
0x9c: {  	s7 =	simm.s32 $0x0;
	s20 =	sshll.u32 s5, $0x1;
	s5 =	sadd.s32 s21, s3  }
0x9d: {  	[timem:s7], [sflag:s22] =	dma.local [hbm:s5], s20  }
0x9e: {  	_ =	swait.ge [sflag:s22], s20  }
0x9f: {  	s4 =	ssub.s32 $0x0, s20;
	[sflag:s22] =	ssyncset.done $0x0  }
0xa0: {  	[sflag:s22] =	ssyncadd.s32 s4;
	_ =	sdelay $0x1  }
0xa1: {  	s23 =	simm.s32 $0x1B8B  }
0xa2: {  	_ =	swait.ge [sflag:s23], $0x1  }
0xa3: {  	[sflag:s23] =	ssyncset.done $0x0  }
0xa4: {  	s25 =	simm.s32 $0x1B8E;
	s24 =	sld [smem:$0x3FFE];
	[sflag:s23] =	ssyncadd.s32 $0xFFFFFFFF  }
0xa5: {  	s26 =	simm.s32 $execute0_lowered;
	[smem:$0x3FD2] =	sst s25  }
0xa6: {  	s5 =	sshll.u32 s26, $0x1;
	_ =	strace $0x80000046;
	[dreg:$0x1] =	wrdreg $0xFFFFFFFF  }
0xa7: {  	s28 =	simm.s32 $_size_execute0_lowered;
	s3 =	sadd.s32 s3, s5;
	[dreg:$0x0] =	wrdreg $0x0  }
0xa8: {  	s5 =	sshll.u32 s28, $0x1;
	[dreg:$0x2] =	wrdreg s3  }
0xa9: {  	[dreg:$0x3] =	wrdreg s5  }
0xaa: {  	[dreg:$0x4] =	wrdreg $0xC0  }
0xab: {  	_ =	task [dreg:s7], $0x5FFFF  }
0xac: {  	[dreg:$0x1] =	wrdreg $0xFFFFFFFF  }
0xad: {  	[dreg:$0x0] =	wrdreg $0x60  }
0xae: {  	[dreg:$0x2] =	wrdreg s2  }
0xaf: {  	[dreg:$0x3] =	wrdreg s24  }
0xb0: {  	[dreg:$0x4] =	wrdreg $0x42000  }
0xb1: {  	[dreg:$0x5] =	wrdreg $0x9  }
0xb2: {  	_ =	task.clear_ibuf [dreg:s7], $0x6FFFF;
	_ =	strace $0x90000046  }
0xb3: {  	s29 =	simm.s32 $0x9;
	_ =	strace $0x80000048  }
0xb4: {  	_ =	swait.ge [sflag:s29], $0x1  }
0xb5: {  	[sflag:s29] =	ssyncadd.s32 $0xFFFFFFFF  }
0xb6: {  	_ =	strace $0x90000048  }
0xb7: {  	_ =	sfence  }
0xb8: {  	s30 =	sld [smem:$0x0];
	_ =	sdelay $0x2  }
0xb9: {  	s31 =	sshll.u32 s1, $0xD;
	s1 =	sshrl.u32 s1, $0x2  }
0xba: {  	s3 =	sand.u32 $0x4000, s31;
	s1 =	sadd.s32 s1, s30  }
0xbb: {  	s0 =	sor.u32 s3, s0;
	s1 =	sshll.u32 s1, $0x11  }
0xbc: {  	s0 =	sor.u32 s1, s0  }
0xbd: {  	s0 =	sadd.s32 $0x8F2B, s0  }
0xbe: {  	[sflag:s0] =	ssyncadd.remote.s32 $0x1  }
0xbf: {  	_ =	sfence.sel $0xFFFF  }
0xc0: {  	[dreg:$0x0] =	wrdreg $0xFFFFFFFF;
	(pc) =	sbr.abs _section_cstart, $3  }
0xc1: {  	[dreg:$0x1] =	wrdreg $0xFFFFFFFF  }
0xc2: {  	_ =	task.clear_ibuf [dreg:s7], $0x2FFFF;
	_ =	strace $0x9FFFFFFF  }
0xc3: {  	(tm) =	ssettm $0x7FFFFFFF  }
tec
execute0_lowered:
.L_overlay_start_1:
0x0: {  	(tag) =	ssettag $0x1  }
0x1: {  	s9 =	rddreg [dreg:$0x0]  }
0x2: {  	s5 =	rddreg [dreg:$0x1]  }
0x3: {  	s2 =	rddreg [dreg:$0x2]  }
0x4: {  	s0 =	rddreg [dreg:$0x3];
	s3 =	simm.s32 $0x0;
	s1 =	stileid.u32  }
0x5: {  	s4 =	srdreg.scid;
	s15 =	simm.s32 $0x80;
	s16 =	simm.s32 $0x2  }
0x6: {  	s17 =	simm.s32 $0x180;
	s18 =	simm.s32 $0x1;
	s19 =	smul.u32 $0x2800, s1  }
0x7: {  	[smem:$0x7FF] =	sst s3;
	s8 =	sand.u32 $0x1, s4;
	s10 =	smul.u32 $0x50000, s1  }
0x8: {  	s4 =	sadd.s32 $0x2C000, s5;
	s26 =	sshll.u32 s1, $0x1;
	s14 =	smul.u32 $0x1480, s1  }
0x9: {  	s29 =	sshll.u32 s1, $0x6;
	_ =	strace $0x80000047;
	s6 =	smul.u32 $0x28000, s8  }
0xa: {  	s25 =	ssub.s32 $0x2, s8;
	s30 =	smul.u32 $0xA40, s8;
	s7 =	sadd.s32 s19, s5  }
0xb: {  	s12 =	sshrl.u32 s25, $0x1;
	s10 =	sshrl.u32 s10, $0x2;
	s31 =	sadd.s32 s14, s9  }
0xc: {  	s14 =	simm.s32 $0x100;
	s11 =	sadd.s32 s6, s5;
	s6 =	sor.u32 s8, s26  }
0xd: {  	s12 =	ssub.s32 s25, s12;
	s13 =	sadd.s32 s10, s2;
	s5 =	sadd.s32 $0x4000, s7  }
0xe: {  	s10 =	sadd.s32 s30, s31;
	s28 =	smul.u32 $0xA40, s6;
	s6 =	sor.u32 $0x1C03, s29  }
0xf: {  	s20 =	sadd.s32 $0x2C800, s11;
	s11 =	sshrl.u32 s13, $0x3;
	s13 =	simm.s32 $0x200  }
0x10: {  	s19 =	sadd.s32 s19, s20;
	s20 =	simm.s32 $0x0;
	s7 =	sadd.s32 s9, s28  }
0x11: {  	s9 =	smax.u32 s12, $0x1;
	s12 =	simm.s32 $0x3;
	s8 =	sadd.s32 $0x20, s7  }
.LBB2_1:
0x12: {  	[spmem:s11], [sflag:s6] =	dma.local [hbm:s5], $0x2800  }
0x13: {  	_ =	swait.ge [sflag:s12], $0x2800  }
0x14: {  	[sflag:s12] =	ssyncset.done $0x0  }
0x15: {  	[sflag:s12] =	ssyncadd.s32 $0xFFFFD800  }
0x16: {  	[tilespmem:s13], [sflag:$0x3] =	stream.linear.gather [hbm4b:s4+s3], $0x4000, $0x38;
	[tilespmem:$0x18200] =	vst v63  }
0x17: {  	_ =	swait.ge [sflag:s12], $0x4000  }
0x18: {  	[sflag:s12] =	ssyncset.done $0x0  }
0x19: {  	[sflag:s12] =	ssyncadd.s32 $0xFFFFC000  }
0x1a: {  	[tilespmem:s3], [sflag:$0x3] =	stream.linear.gather [hbm4b:s7+s3], $0x100, $0x38;
	[tilespmem:$0x18200] =	vst v63  }
0x1b: {  	_ =	swait.ge [sflag:s12], $0x100  }
0x1c: {  	[sflag:s12] =	ssyncset.done $0x0  }
0x1d: {  	[sflag:s12] =	ssyncadd.s32 $0xFFFFFF00  }
0x1e: {  	[bflag:$0x0] =	sbarrier.arrive $0xFFFF  }
0x1f: {  	[tilespmem:s14], [sflag:$0x2] =	stream.linear.gather [hbm4b:s8+s3], $0x100, $0x38;
	[tilespmem:$0x18200] =	vst v63  }
0x20: {  	_ = 	snop  }
0x21: {  	[spmem:s2] =	stream.indirect.scatter.add.f32 [tilespmem:s13], [sflag:$0x3], $0x80, s15, s15, $0xb8;
	[tilespmem:$0x18200] =	vst v63  }
0x22: {  	_ =	swait.ge [sflag:s12], $0x4000  }
0x23: {  	[sflag:s12] =	ssyncset.done $0x0  }
0x24: {  	[sflag:s12] =	ssyncadd.s32 $0xFFFFC000  }
0x25: {  	_ =	swait.ge [sflag:s16], $0x100  }
0x26: {  	s22 =	sadd.s32 $0xFFFFF600, s10;
	[sflag:s16] =	ssyncset.done $0x0  }
0x27: {  	s21 =	sadd.s32 $0xA40, s22;
	[sflag:s16] =	ssyncadd.s32 $0xFFFFFF00  }
0x28: {  	[tilespmem:s3], [sflag:$0x1] =	stream.linear.gather [hbm4b:s21+s3], $0x100, $0x38;
	[tilespmem:$0x18200] =	vst v63  }
0x29: {  	_ = 	snop  }
0x2a: {  	[spmem:s2] =	stream.indirect.scatter.add.f32 [tilespmem:s13], [sflag:$0x3], $0x80, s17, s15, $0xb8;
	[tilespmem:$0x18200] =	vst v63  }
0x2b: {  	_ =	swait.ge [sflag:s12], $0x4000  }
0x2c: {  	[sflag:s12] =	ssyncset.done $0x0  }
0x2d: {  	[sflag:s12] =	ssyncadd.s32 $0xFFFFC000  }
0x2e: {  	_ =	swait.ge [sflag:s18], $0x100  }
0x2f: {  	[sflag:s18] =	ssyncset.done $0x0  }
0x30: {  	s22 =	sadd.s32 $0xA60, s22;
	s21 =	simm.s32 $0xFFFFF640;
	[sflag:s18] =	ssyncadd.s32 $0xFFFFFF00  }
.LBB2_2:
0x31: {  	[tilespmem:s14], [sflag:$0x2] =	stream.linear.gather [hbm4b:s22+s3], $0x100, $0x38;
	[tilespmem:$0x18200] =	vst v63  }
0x32: {  	p0 =	sne.s32 s21, $0xFFFFFFC0;
	s22 =	smov.u32 s21;
	s21 =	sadd.s32 $0x40, s21  }
0x33: {  	[spmem:s2] =	stream.indirect.scatter.add.f32 [tilespmem:s13], [sflag:$0x3], $0x80, s15, s15, $0xb8;
	[tilespmem:$0x18200] =	vst v63  }
0x34: {  	_ =	swait.ge [sflag:s12], $0x4000  }
0x35: {  	[sflag:s12] =	ssyncset.done $0x0  }
0x36: {  	[sflag:s12] =	ssyncadd.s32 $0xFFFFC000  }
0x37: {  	_ =	swait.ge [sflag:s16], $0x100  }
0x38: {  	s22 =	sadd.s32 s22, s10;
	[sflag:s16] =	ssyncset.done $0x0  }
0x39: {  	s23 =	sadd.s32 $0xA40, s22;
	[sflag:s16] =	ssyncadd.s32 $0xFFFFFF00  }
0x3a: {  	[tilespmem:s3], [sflag:$0x1] =	stream.linear.gather [hbm4b:s23+s3], $0x100, $0x38;
	[tilespmem:$0x18200] =	vst v63  }
0x3b: {  	_ = 	snop  }
0x3c: {  	[spmem:s2] =	stream.indirect.scatter.add.f32 [tilespmem:s13], [sflag:$0x3], $0x80, s17, s15, $0xb8;
	[tilespmem:$0x18200] =	vst v63  }
0x3d: {  	_ =	swait.ge [sflag:s12], $0x4000  }
.Ltmp0:
0x3e: {  	[sflag:s12] =	ssyncset.done $0x0;
	(pc) =	sbr.rel @p0 .LBB2_2-.Ltmp0, $4  }
0x3f: {  	[sflag:s12] =	ssyncadd.s32 $0xFFFFC000  }
0x40: {  	_ =	swait.ge [sflag:s18], $0x100  }
0x41: {  	[sflag:s18] =	ssyncset.done $0x0  }
0x42: {  	s22 =	sadd.s32 $0xA60, s22;
	[sflag:s18] =	ssyncadd.s32 $0xFFFFFF00  }
0x43: {  	[tilespmem:s14], [sflag:$0x2] =	stream.linear.gather [hbm4b:s22+s3], $0x100, $0x38;
	[tilespmem:$0x18200] =	vst v63  }
0x44: {  	_ =	swait.ge [sflag:s16], $0x100  }
0x45: {  	s20 =	sadd.s32 $0x1, s20;
	[sflag:s16] =	ssyncset.done $0x0  }
0x46: {  	p0 =	sne.s32 s20, s9;
	[sflag:s16] =	ssyncadd.s32 $0xFFFFFF00  }
.Ltmp1:
0x47: {  	[bflag:$0x0] =	sbarrier.arrive $0xFFFF;
	(pc) =	sbr.rel @p0 .LBB2_1-.Ltmp1, $4  }
0x48: {  	[hbm:s19], [sflag:s6] =	dma.local [spmem:s11], $0x2800  }
0x49: {  	_ =	swait.ge [sflag:s12], $0x2800  }
0x4a: {  	[sflag:s12] =	ssyncset.done $0x0  }
0x4b: {  	[sflag:s12] =	ssyncadd.s32 $0xFFFFD800  }
0x4c: {  	_ =	sfence.sel $0x180000  }
0x4d: {  	[bflag:$0x0] =	sbarrier.arrive $0xFFFF  }
0x4e: {  	p0 =	sne.s32 s1, $0x0;
	_ =	strace $0x90000047  }
0x4f: {  	s0 =	sadd.s32 @!p0 $0x100000, s0;
	[bflag:$0x2] =	sbarrier.arrive $0xFFFF  }
0x50: {  	[sflag:s0] =	ssyncadd.tile.s32 @!p0 $0x1;
	_ =	shalt  }
.Lfunc_end2:
_tile_overlayer_lowered:
.L_overlay_start_2:
0x51: {  	(tag) =	ssettag $0x2  }
0x52: {  	s0 =	rddreg [dreg:$0x0];
	s2 =	stileid.u32  }
0x53: {  	s1 =	rddreg [dreg:$0x1];
	p0 =	sne.s32 s2, $0x0  }
0x54: {  	s3 =	rddreg [dreg:$0x2];
	[bflag:$0x3] =	sbarrier.arrive $0xFFFF;
	s2 =	simm.s32 @!p0 $0x1C03  }
0x55: {  	[timem:s3], [sflag:s2] =	dma.local @!p0 [hbm:s0], s1  }
0x56: {  	s0 =	simm.s32 @!p0 $0x3  }
0x57: {  	_ =	swait.ge @!p0 [sflag:s0], s1  }
0x58: {  	s1 =	ssub.s32 @!p0 $0x0, s1;
	[sflag:s0] =	ssyncset.done @!p0 $0x0  }
0x59: {  	[sflag:s0] =	ssyncadd.s32 @!p0 s1  }
0x5a: {  	[bflag:$0x3] =	sbarrier.arrive $0xFFFF  }
0x5b: {  	_ =	shalt  }

</sc_bundles>
